<compile_context>
chip_gen: v7x
topology: tpu7x:2x2x1
jax: 0.10.2.dev20260603
libtpu: 0.0.44.dev20260713+nightly
codegen_flags: <defaults>
</compile_context>

<pallas_src>
import functools

import jax
import jax.numpy as jnp
from jax import lax
from jax.experimental import pallas as pl
from jax.experimental.pallas import tpu as pltpu
from jax.experimental.pallas import tpu_sc as plsc

T = 2048
D = 2048
E = 8
K = 2
DFF = 1024
DSH = 1024
CAP = 640
S = T * K
EC = E * CAP

NC = 2
NS = 16
NW = NC * NS
LANES = 16

BT = 256
ROWS_PER_W = EC // NW
TOK_PER_W = T // NW
RC = 32
XC = D // 2


def _pack_pairs(bf):
    n = bf.shape[-1] // 2
    b = lax.bitcast_convert_type(bf, jnp.uint16)
    lo = b[:, :n].astype(jnp.uint32)
    hi = b[:, n:].astype(jnp.uint32)
    return lax.bitcast_convert_type(lo | (hi << 16), jnp.int32)


def _unpack_pairs(pi):
    u = lax.bitcast_convert_type(pi, jnp.uint32)
    lo = lax.convert_element_type(u & jnp.uint32(0xFFFF), jnp.uint16)
    hi = lax.convert_element_type(u >> 16, jnp.uint16)
    return jnp.concatenate(
        [lax.bitcast_convert_type(lo, jnp.bfloat16),
         lax.bitcast_convert_type(hi, jnp.bfloat16)], axis=-1)
NBUF = 3


def _pipelined_gather(src_hbm, idx_v, dst_hbm, dst_base, nrows,
                      bufs, gsems, wsems):
    nb = len(bufs)
    nch = nrows // RC

    def g(cc):
        return pltpu.async_copy(
            src_hbm.at[idx_v.at[pl.ds(cc * RC, RC)]], bufs[cc % nb],
            gsems[cc % nb])

    gd = {}
    wd = {}
    for b in range(min(nb, nch)):
        gd[b] = g(b)
    for cc in range(nch):
        gd[cc].wait()
        wd[cc] = pltpu.async_copy(
            bufs[cc % nb], dst_hbm.at[pl.ds(dst_base + cc * RC, RC)],
            wsems[cc % nb])
        if cc + nb < nch:
            wd[cc].wait()
            gd[cc + nb] = g(cc + nb)
    for cc in range(max(0, nch - nb), nch):
        wd[cc].wait()



def _router_body(x_ref, gwt_ref, slots_ref, ws_ref, xpack_ref, carry_ref):
    i = pl.program_id(0)

    @pl.when(i == 0)
    def _():
        carry_ref[...] = jnp.zeros_like(carry_ref)

    xb = x_ref[...]
    logits = jnp.dot(xb, gwt_ref[...], preferred_element_type=jnp.float32)
    scores = jax.nn.sigmoid(logits)
    lane = lax.broadcasted_iota(jnp.int32, (BT, E), 1)

    m1 = jnp.max(scores, axis=1, keepdims=True)
    e1 = jnp.min(jnp.where(scores == m1, lane, E), axis=1, keepdims=True)
    masked = jnp.where(lane == e1, -1.0, scores)
    m2 = jnp.max(masked, axis=1, keepdims=True)
    e2 = jnp.min(jnp.where(masked == m2, lane, E), axis=1, keepdims=True)

    wsum = m1 + m2 + 1e-20
    w1 = m1 / wsum
    w2 = m2 / wsum

    oh1 = (lane == e1).astype(jnp.float32)
    oh2 = (lane == e2).astype(jnp.float32)
    ohsum = oh1 + oh2

    r = lax.broadcasted_iota(jnp.int32, (BT, BT), 0)
    c = lax.broadcasted_iota(jnp.int32, (BT, BT), 1)
    tril = (c < r).astype(jnp.float32)
    cnt = jnp.dot(tril, ohsum, preferred_element_type=jnp.float32)
    cnt = cnt + carry_ref[...]
    carry_ref[...] = carry_ref[...] + jnp.sum(ohsum, axis=0, keepdims=True)

    pos1 = jnp.sum(jnp.where(oh1 > 0, cnt, 0.0), axis=1, keepdims=True)
    pos2 = jnp.sum(jnp.where(oh2 > 0, cnt, 0.0), axis=1, keepdims=True)
    p1 = pos1.astype(jnp.int32)
    p2 = pos2.astype(jnp.int32)
    v1 = p1 < CAP
    v2 = p2 < CAP
    slot1 = jnp.where(v1, e1 * CAP + p1, EC)
    slot2 = jnp.where(v2, e2 * CAP + p2, EC)
    slots_ref[...] = jnp.concatenate([slot1, slot2], axis=1)
    ws_ref[...] = jnp.concatenate(
        [jnp.where(v1, w1, 0.0), jnp.where(v2, w2, 0.0)], axis=1)
    xpack_ref[...] = _pack_pairs(xb.astype(jnp.bfloat16))


def _router(x, gwt):
    return pl.pallas_call(
        _router_body,
        grid=(T // BT,),
        in_specs=[
            pl.BlockSpec((BT, D), lambda i: (i, 0)),
            pl.BlockSpec((D, E), lambda i: (0, 0)),
        ],
        out_specs=[
            pl.BlockSpec((BT, K), lambda i: (i, 0)),
            pl.BlockSpec((BT, K), lambda i: (i, 0)),
            pl.BlockSpec((BT, XC), lambda i: (i, 0)),
        ],
        out_shape=[
            jax.ShapeDtypeStruct((T, K), jnp.int32),
            jax.ShapeDtypeStruct((T, K), jnp.float32),
            jax.ShapeDtypeStruct((T, XC), jnp.int32),
        ],
        scratch_shapes=[pltpu.VMEM((1, E), jnp.float32)],
    )(x, gwt)



_SCAN_UNROLL = 4


def _dispatch_body(slots_hbm, x_hbm, xe_hbm, slots_v, tok_v,
                   b0, b1, b2, g0, g1, g2, w0, w1, w2):
    wid = lax.axis_index("s") * NC + lax.axis_index("c")
    base = wid * ROWS_PER_W

    pltpu.sync_copy(slots_hbm, slots_v)
    for j in range(ROWS_PER_W // LANES):
        tok_v[pl.ds(j * LANES, LANES)] = jnp.zeros((LANES,), jnp.int32)

    iot = lax.iota(jnp.int32, LANES)

    def scan(j, carry):
        for u in range(_SCAN_UNROLL):
            off = j * (LANES * _SCAN_UNROLL) + u * LANES
            idx = slots_v[pl.ds(off, LANES)]
            tok = jnp.right_shift(off + iot, 1)
            loc = idx - base
            mask = (loc >= 0) & (loc < ROWS_PER_W)
            locc = jnp.minimum(jnp.maximum(loc, 0), ROWS_PER_W - 1)
            plsc.store_scatter(tok_v, [locc], tok, mask=mask)
        return carry

    lax.fori_loop(0, S // (LANES * _SCAN_UNROLL), scan, 0)

    _pipelined_gather(x_hbm, tok_v, xe_hbm, base, ROWS_PER_W,
                      (b0, b1, b2), (g0, g1, g2), (w0, w1, w2))


def _dispatch_gather(slots_flat, xbf3):
    mesh = plsc.VectorSubcoreMesh(
        core_axis_name="c", subcore_axis_name="s",
        num_cores=NC, num_subcores=NS)
    return pl.kernel(
        _dispatch_body,
        out_type=jax.ShapeDtypeStruct((EC, XC), jnp.int32),
        mesh=mesh,
        compiler_params=pltpu.CompilerParams(needs_layout_passes=False),
        scratch_types=[
            pltpu.VMEM((S,), jnp.int32),
            pltpu.VMEM((ROWS_PER_W,), jnp.int32),
        ] + [pltpu.VMEM((RC, XC), jnp.int32)] * NBUF
          + [pltpu.SemaphoreType.DMA] * (2 * NBUF),
    )(slots_flat, xbf3)



BF1 = 512
BD2 = 512


def _ffn1_body(xe_ref, wg_ref, wu_ref, h_ref):
    xb = _unpack_pairs(xe_ref[0])
    g = jnp.dot(xb, wg_ref[0].astype(jnp.bfloat16),
                preferred_element_type=jnp.float32)
    u = jnp.dot(xb, wu_ref[0].astype(jnp.bfloat16),
                preferred_element_type=jnp.float32)
    h_ref[0] = (g * jax.nn.sigmoid(g) * u).astype(jnp.bfloat16)


def _ffn1(xe3, w_gate, w_up):
    return pl.pallas_call(
        _ffn1_body,
        grid=(E, DFF // BF1),
        in_specs=[
            pl.BlockSpec((1, CAP, XC), lambda e, f: (e, 0, 0)),
            pl.BlockSpec((1, D, BF1), lambda e, f: (e, 0, f)),
            pl.BlockSpec((1, D, BF1), lambda e, f: (e, 0, f)),
        ],
        out_specs=pl.BlockSpec((1, CAP, BF1), lambda e, f: (e, 0, f)),
        out_shape=jax.ShapeDtypeStruct((E, CAP, DFF), jnp.bfloat16),
    )(xe3, w_gate, w_up)


def _ffn2_body(h_ref, wd_ref, ye_ref):
    yb = jnp.dot(h_ref[0], wd_ref[0].astype(jnp.bfloat16),
                 preferred_element_type=jnp.float32).astype(jnp.bfloat16)
    ye_ref[0] = _pack_pairs(yb)


def _ffn2(h, w_down):
    return pl.pallas_call(
        _ffn2_body,
        grid=(E, D // BD2),
        in_specs=[
            pl.BlockSpec((1, CAP, DFF), lambda e, d: (e, 0, 0)),
            pl.BlockSpec((1, DFF, BD2), lambda e, d: (e, 0, d)),
        ],
        out_specs=pl.BlockSpec((1, CAP, BD2 // 2), lambda e, d: (e, 0, d)),
        out_shape=jax.ShapeDtypeStruct((E, CAP, XC), jnp.int32),
    )(h, w_down)



def _combine_body(ye_hbm, s0_hbm, s1_hbm, yg0_hbm, yg1_hbm,
                  idx0_v, idx1_v, b0, b1, b2, g0, g1, g2, w0, w1, w2):
    wid = lax.axis_index("s") * NC + lax.axis_index("c")
    tbase = wid * TOK_PER_W

    for iv, s_hbm, o_hbm in ((idx0_v, s0_hbm, yg0_hbm),
                             (idx1_v, s1_hbm, yg1_hbm)):
        pltpu.sync_copy(s_hbm.at[pl.ds(tbase, TOK_PER_W)], iv)
        for j in range(TOK_PER_W // LANES):
            sl = pl.ds(j * LANES, LANES)
            iv[sl] = jnp.minimum(iv[sl], EC - 1)
        _pipelined_gather(ye_hbm, iv, o_hbm, tbase, TOK_PER_W,
                          (b0, b1, b2), (g0, g1, g2), (w0, w1, w2))


def _combine_gather(ye, slots0, slots1):
    mesh = plsc.VectorSubcoreMesh(
        core_axis_name="c", subcore_axis_name="s",
        num_cores=NC, num_subcores=NS)
    return pl.kernel(
        _combine_body,
        out_type=[
            jax.ShapeDtypeStruct((T, XC), jnp.int32),
            jax.ShapeDtypeStruct((T, XC), jnp.int32),
        ],
        mesh=mesh,
        compiler_params=pltpu.CompilerParams(needs_layout_passes=False),
        scratch_types=[
            pltpu.VMEM((TOK_PER_W,), jnp.int32),
            pltpu.VMEM((TOK_PER_W,), jnp.int32),
        ] + [pltpu.VMEM((RC, XC), jnp.int32)] * NBUF
          + [pltpu.SemaphoreType.DMA] * (2 * NBUF),
    )(ye, slots0, slots1)



def _shared1_body(x_ref, wsg_ref, wsu_ref, hsh_ref):
    xb = x_ref[...].astype(jnp.bfloat16)
    g = jnp.dot(xb, wsg_ref[...].astype(jnp.bfloat16),
                preferred_element_type=jnp.float32)
    u = jnp.dot(xb, wsu_ref[...].astype(jnp.bfloat16),
                preferred_element_type=jnp.float32)
    hsh_ref[...] = (g * jax.nn.sigmoid(g) * u).astype(jnp.bfloat16)


def _shared1(x, ws_gate, ws_up):
    return pl.pallas_call(
        _shared1_body,
        grid=(T // BT,),
        in_specs=[
            pl.BlockSpec((BT, D), lambda i: (i, 0)),
            pl.BlockSpec((D, DSH), lambda i: (0, 0)),
            pl.BlockSpec((D, DSH), lambda i: (0, 0)),
        ],
        out_specs=pl.BlockSpec((BT, DSH), lambda i: (i, 0)),
        out_shape=jax.ShapeDtypeStruct((T, DSH), jnp.bfloat16),
    )(x, ws_gate, ws_up)


def _unpack_ye_row(pi):
    n = BD2 // 2
    return jnp.concatenate(
        [_unpack_pairs(pi[:, d * n:(d + 1) * n]) for d in range(D // BD2)],
        axis=-1)


def _final_body(hsh_ref, wsd_ref, yg0_ref, yg1_ref, ws_ref, y_ref):
    ysh = jnp.dot(hsh_ref[...], wsd_ref[...].astype(jnp.bfloat16),
                  preferred_element_type=jnp.float32)
    w0 = ws_ref[:, 0:1]
    w1 = ws_ref[:, 1:2]
    y_ref[...] = (ysh + w0 * _unpack_ye_row(yg0_ref[...]).astype(jnp.float32)
                  + w1 * _unpack_ye_row(yg1_ref[...]).astype(jnp.float32))


def _final(hsh, ws_down, yg0, yg1, ws):
    return pl.pallas_call(
        _final_body,
        grid=(T // BT,),
        in_specs=[
            pl.BlockSpec((BT, DSH), lambda i: (i, 0)),
            pl.BlockSpec((DSH, D), lambda i: (0, 0)),
            pl.BlockSpec((BT, XC), lambda i: (i, 0)),
            pl.BlockSpec((BT, XC), lambda i: (i, 0)),
            pl.BlockSpec((BT, K), lambda i: (i, 0)),
        ],
        out_specs=pl.BlockSpec((BT, D), lambda i: (i, 0)),
        out_shape=jax.ShapeDtypeStruct((T, D), jnp.float32),
    )(hsh, ws_down, yg0, yg1, ws)



def kernel(x, gate_w, w_gate, w_up, w_down, ws_gate, ws_up, ws_down):
    gwt = gate_w.T
    slots, ws, xpack = _router(x, gwt)
    xe = _dispatch_gather(slots.reshape(S), xpack)
    hsh = _shared1(x, ws_gate, ws_up)
    h = _ffn1(xe.reshape(E, CAP, XC), w_gate, w_up)
    ye = _ffn2(h, w_down)
    yg0, yg1 = _combine_gather(ye.reshape(EC, XC),
                               slots[:, 0], slots[:, 1])
    return _final(hsh, ws_down, yg0, yg1, ws)

# --- scband reference (transcript-rebuilt; emitter-appended) ---
"""Pipeline reference for scband-deepseek-v3-mo-e-73804718014884 (READ-ONLY COPY).

The authoritative reference and input builder live on the scoring server;
editing this copy changes nothing except your own understanding.
"""

import jax, jax.numpy as jnp
import numpy as np

T = 2048      # tokens (batch=1, seq_len=2048)
D = 2048      # hidden_size
E = 8         # num routed experts
K = 2         # top_k
DFF = 1024    # moe_intermediate_size
DSH = 1024    # shared expert intermediate (1 shared expert)
CAP = 640     # capacity per expert = ceil(T*K/E * 1.25)


def setup_inputs(seed: int = 0) -> dict:
    key = jax.random.key(seed)
    ks = jax.random.split(key, 8)
    x = jax.random.normal(ks[0], (T, D), dtype=jnp.float32)
    gate_w = jax.random.normal(ks[1], (E, D), dtype=jnp.float32) * 0.02
    w_gate = jax.random.normal(ks[2], (E, D, DFF), dtype=jnp.float32) * 0.02
    w_up = jax.random.normal(ks[3], (E, D, DFF), dtype=jnp.float32) * 0.02
    w_down = jax.random.normal(ks[4], (E, DFF, D), dtype=jnp.float32) * 0.02
    ws_gate = jax.random.normal(ks[5], (D, DSH), dtype=jnp.float32) * 0.02
    ws_up = jax.random.normal(ks[6], (D, DSH), dtype=jnp.float32) * 0.02
    ws_down = jax.random.normal(ks[7], (DSH, D), dtype=jnp.float32) * 0.02
    return {"x": x, "gate_w": gate_w, "w_gate": w_gate, "w_up": w_up,
            "w_down": w_down, "ws_gate": ws_gate, "ws_up": ws_up, "ws_down": ws_down}


def _moe(x, gate_w, w_gate, w_up, w_down, ws_gate, ws_up, ws_down):
    # ---- MoEGate: sigmoid scoring + top-k + normalized weights (DeepseekV3) ----
    logits = x @ gate_w.T                           # [T, E]
    scores = jax.nn.sigmoid(logits)
    topv, topi = jax.lax.top_k(scores, K)           # [T, K]
    topw = topv / (jnp.sum(topv, axis=-1, keepdims=True) + 1e-20)

    # ---- token dispatch (capacity-based stand-in for all_to_all + grouped gemm) ----
    S = T * K
    expert_s = topi.reshape(-1)                     # [S] int32
    weight_s = topw.reshape(-1)                     # [S]
    token_s = jnp.repeat(jnp.arange(T, dtype=jnp.int32), K)  # [S]
    oh = jax.nn.one_hot(expert_s, E, dtype=jnp.int32)        # [S, E]
    pos_all = jnp.cumsum(oh, axis=0) - 1
    pos_s = jnp.sum(pos_all * oh, axis=1)           # position within expert
    valid = pos_s < CAP
    pos_c = jnp.where(valid, pos_s, CAP)
    # scatter token ids / validity into expert slots (scatter-overwrite)
    slot_tok = jnp.zeros((E, CAP + 1), jnp.int32).at[expert_s, pos_c].set(token_s)
    slot_val = jnp.zeros((E, CAP + 1), x.dtype).at[expert_s, pos_c].set(valid.astype(x.dtype))
    slot_tok = slot_tok[:, :CAP]
    slot_val = slot_val[:, :CAP]
    # gather tokens into per-expert buffers
    x_e = jnp.take(x, slot_tok.reshape(-1), axis=0).reshape(E, CAP, D)
    x_e = x_e * slot_val[..., None]

    # ---- grouped SwiGLU FFN (GroupedLinear / gmm equivalent) ----
    g = jnp.einsum('ecd,edf->ecf', x_e, w_gate)
    u = jnp.einsum('ecd,edf->ecf', x_e, w_up)
    h = jax.nn.silu(g) * u
    y_e = jnp.einsum('ecf,efd->ecd', h, w_down)     # [E, CAP, D]

    # ---- combine: gather expert outputs back per slot, weighted scatter-add ----
    pos_g = jnp.minimum(pos_c, CAP - 1)
    y_s = y_e[expert_s, pos_g] * valid[:, None].astype(x.dtype)   # [S, D]
    y = jax.ops.segment_sum(weight_s[:, None] * y_s, token_s, num_segments=T)

    # ---- shared expert (always-on DeepseekV3FFN) ----
    sh = jax.nn.silu(x @ ws_gate) * (x @ ws_up)
    y = y + sh @ ws_down
    return y


def reference(x, gate_w, w_gate, w_up, w_down, ws_gate, ws_up, ws_down):
    return _moe(x, gate_w, w_gate, w_up, w_down, ws_gate, ws_up, ws_down)

if __name__ == "__main__":
    import jax
    _d = setup_inputs()
    print(jax.jit(kernel)(*tuple(_d.values())))

</pallas_src>

<mosaic_0001>
#map = affine_map<(d0, d1) -> (0, 0)>
#map1 = affine_map<(d0, d1) -> (0)>
module attributes {stable_mosaic.version = 14 : i64} {
  func.func @_combine_body(%arg0: i32, %arg1: i32, %arg2: memref<5120x1024xi32, #tpu.memory_space<hbm>>, %arg3: memref<2048xi32, #tpu.memory_space<hbm>>, %arg4: memref<2048xi32, #tpu.memory_space<hbm>>, %arg5: memref<2048x1024xi32, #tpu.memory_space<hbm>>, %arg6: memref<2048x1024xi32, #tpu.memory_space<hbm>>, %arg7: memref<64xi32, #tpu.memory_space<vmem>>, %arg8: memref<64xi32, #tpu.memory_space<vmem>>, %arg9: memref<32x1024xi32, #tpu.memory_space<vmem>>, %arg10: memref<32x1024xi32, #tpu.memory_space<vmem>>, %arg11: memref<32x1024xi32, #tpu.memory_space<vmem>>, %arg12: memref<!tpu.dma_semaphore, #tpu.memory_space<semaphore_mem>>, %arg13: memref<!tpu.dma_semaphore, #tpu.memory_space<semaphore_mem>>, %arg14: memref<!tpu.dma_semaphore, #tpu.memory_space<semaphore_mem>>, %arg15: memref<!tpu.dma_semaphore, #tpu.memory_space<semaphore_mem>>, %arg16: memref<!tpu.dma_semaphore, #tpu.memory_space<semaphore_mem>>, %arg17: memref<!tpu.dma_semaphore, #tpu.memory_space<semaphore_mem>>) attributes {dimension_semantics = [#tpu.dimension_semantics<core_parallel>, #tpu.dimension_semantics<subcore_parallel>], iteration_bounds = array<i64: 2, 16>, scalar_prefetch = 0 : i64, scratch_operands = 11 : i64, tpu.core_type = #tpu.core_type<sc_vector_subcore>, window_params = [{transform_indices = #map}, {transform_indices = #map1}, {transform_indices = #map1}, {transform_indices = #map}, {transform_indices = #map}]} {
    %mul3A = arith.constant 2 : i32
    %mul3A_0 = arith.muli %arg1, %mul3A : i32
    %add3A = arith.addi %mul3A_0, %arg0 : i32
    %mul3A_1 = arith.constant 64 : i32
    %mul3A_2 = arith.muli %add3A, %mul3A_1 : i32
    "tpu.region"() ({
      %run_scoped3A = tpu.sem_alloc : memref<!tpu.dma_semaphore, #tpu.memory_space<semaphore_mem>>
      %dma_start3A_134 = tpu.memref_slice %arg3[%mul3A_2] : memref<2048xi32, #tpu.memory_space<hbm>> -> memref<64xi32, #tpu.memory_space<hbm>>
      %dma_start3A_135 = tpu.memref_slice %arg3[%mul3A_2] : memref<2048xi32, #tpu.memory_space<hbm>> -> memref<64xi32, #tpu.memory_space<hbm>>
      tpu.enqueue_dma source(%dma_start3A_135 : memref<64xi32, #tpu.memory_space<hbm>>) target(%arg7 : memref<64xi32, #tpu.memory_space<vmem>>) target_semaphore(%run_scoped3A : memref<!tpu.dma_semaphore, #tpu.memory_space<semaphore_mem>>)
      %dma_wait3A_136 = tpu.memref_slice %arg3[%mul3A_2] : memref<2048xi32, #tpu.memory_space<hbm>> -> memref<64xi32, #tpu.memory_space<hbm>>
      %dma_wait3A_137 = tpu.memref_slice %arg3[%mul3A_2] : memref<2048xi32, #tpu.memory_space<hbm>> -> memref<64xi32, #tpu.memory_space<hbm>>
      tpu.wait_dma2 semaphore(%run_scoped3A : memref<!tpu.dma_semaphore, #tpu.memory_space<semaphore_mem>>) src(%dma_wait3A_137 : memref<64xi32, #tpu.memory_space<hbm>>) dst(%arg7 : memref<64xi32, #tpu.memory_space<vmem>>)
      tpu.yield
    }) : () -> ()
    %get3A = arith.constant 0 : index
    %get3A_3 = tpu.vector_load %arg7[%get3A] {strides = array<i32>} : memref<64xi32, #tpu.memory_space<vmem>>, vector<16xi32>,
    %min3A = arith.constant 5119 : i32
    %min3A_4 = vector.broadcast %min3A : i32 to vector<16xi32>
    %min3A_5 = arith.minsi %get3A_3, %min3A_4 : vector<16xi32>
    %swap3A = arith.constant 0 : index
    %swap3A_6 = tpu.vector_load %arg7[%swap3A] {strides = array<i32>} : memref<64xi32, #tpu.memory_space<vmem>>, vector<16xi32>,
    tpu.vector_store %arg7[%swap3A], %min3A_5 {strides = array<i32>} : memref<64xi32, #tpu.memory_space<vmem>>, vector<16xi32>,
    %get3A_7 = arith.constant 16 : index
    %get3A_8 = tpu.vector_load %arg7[%get3A_7] {strides = array<i32>} : memref<64xi32, #tpu.memory_space<vmem>>, vector<16xi32>,
    %min3A_9 = arith.constant 5119 : i32
    %min3A_10 = vector.broadcast %min3A_9 : i32 to vector<16xi32>
    %min3A_11 = arith.minsi %get3A_8, %min3A_10 : vector<16xi32>
    %swap3A_12 = arith.constant 16 : index
    %swap3A_13 = tpu.vector_load %arg7[%swap3A_12] {strides = array<i32>} : memref<64xi32, #tpu.memory_space<vmem>>, vector<16xi32>,
    tpu.vector_store %arg7[%swap3A_12], %min3A_11 {strides = array<i32>} : memref<64xi32, #tpu.memory_space<vmem>>, vector<16xi32>,
    %get3A_14 = arith.constant 32 : index
    %get3A_15 = tpu.vector_load %arg7[%get3A_14] {strides = array<i32>} : memref<64xi32, #tpu.memory_space<vmem>>, vector<16xi32>,
    %min3A_16 = arith.constant 5119 : i32
    %min3A_17 = vector.broadcast %min3A_16 : i32 to vector<16xi32>
    %min3A_18 = arith.minsi %get3A_15, %min3A_17 : vector<16xi32>
    %swap3A_19 = arith.constant 32 : index
    %swap3A_20 = tpu.vector_load %arg7[%swap3A_19] {strides = array<i32>} : memref<64xi32, #tpu.memory_space<vmem>>, vector<16xi32>,
    tpu.vector_store %arg7[%swap3A_19], %min3A_18 {strides = array<i32>} : memref<64xi32, #tpu.memory_space<vmem>>, vector<16xi32>,
    %get3A_21 = arith.constant 48 : index
    %get3A_22 = tpu.vector_load %arg7[%get3A_21] {strides = array<i32>} : memref<64xi32, #tpu.memory_space<vmem>>, vector<16xi32>,
    %min3A_23 = arith.constant 5119 : i32
    %min3A_24 = vector.broadcast %min3A_23 : i32 to vector<16xi32>
    %min3A_25 = arith.minsi %get3A_22, %min3A_24 : vector<16xi32>
    %swap3A_26 = arith.constant 48 : index
    %swap3A_27 = tpu.vector_load %arg7[%swap3A_26] {strides = array<i32>} : memref<64xi32, #tpu.memory_space<vmem>>, vector<16xi32>,
    tpu.vector_store %arg7[%swap3A_26], %min3A_25 {strides = array<i32>} : memref<64xi32, #tpu.memory_space<vmem>>, vector<16xi32>,
    %dma_start3A = arith.constant 0 : i32
    %dma_start3A_28 = tpu.memref_slice %arg7[%dma_start3A] : memref<64xi32, #tpu.memory_space<vmem>> -> memref<32xi32, #tpu.memory_space<vmem>>
    %dma_start3A_29 = arith.constant 0 : i32
    %dma_start3A_30 = arith.constant 0 : i32
    %dma_start3A_31 = tpu.memref_slice %arg2[%dma_start3A_29, %dma_start3A_30] : memref<5120x1024xi32, #tpu.memory_space<hbm>> -> memref<5120x1024xi32, #tpu.memory_space<hbm>>
    tpu.enqueue_indirect_dma source(%dma_start3A_31 : memref<5120x1024xi32, #tpu.memory_space<hbm>>) target(%arg9 : memref<32x1024xi32, #tpu.memory_space<vmem>>) offsets(%dma_start3A_28 : memref<32xi32, #tpu.memory_space<vmem>>) semaphore(%arg12 : memref<!tpu.dma_semaphore, #tpu.memory_space<semaphore_mem>>)
    %dma_start3A_32 = arith.constant 32 : i32
    %dma_start3A_33 = tpu.memref_slice %arg7[%dma_start3A_32] : memref<64xi32, #tpu.memory_space<vmem>> -> memref<32xi32, #tpu.memory_space<vmem>>
    %dma_start3A_34 = arith.constant 0 : i32
    %dma_start3A_35 = arith.constant 0 : i32
    %dma_start3A_36 = tpu.memref_slice %arg2[%dma_start3A_34, %dma_start3A_35] : memref<5120x1024xi32, #tpu.memory_space<hbm>> -> memref<5120x1024xi32, #tpu.memory_space<hbm>>
    tpu.enqueue_indirect_dma source(%dma_start3A_36 : memref<5120x1024xi32, #tpu.memory_space<hbm>>) target(%arg10 : memref<32x1024xi32, #tpu.memory_space<vmem>>) offsets(%dma_start3A_33 : memref<32xi32, #tpu.memory_space<vmem>>) semaphore(%arg13 : memref<!tpu.dma_semaphore, #tpu.memory_space<semaphore_mem>>)
    %dma_wait3A = arith.constant 0 : i32
    %dma_wait3A_37 = tpu.memref_slice %arg7[%dma_wait3A] : memref<64xi32, #tpu.memory_space<vmem>> -> memref<32xi32, #tpu.memory_space<vmem>>
    %dma_wait3A_38 = arith.constant 0 : i32
    %dma_wait3A_39 = arith.constant 0 : i32
    %dma_wait3A_40 = tpu.memref_slice %arg2[%dma_wait3A_38, %dma_wait3A_39] : memref<5120x1024xi32, #tpu.memory_space<hbm>> -> memref<5120x1024xi32, #tpu.memory_space<hbm>>
    tpu.wait_indirect_dma semaphore(%arg12 : memref<!tpu.dma_semaphore, #tpu.memory_space<semaphore_mem>>) src(%dma_wait3A_40 : memref<5120x1024xi32, #tpu.memory_space<hbm>>) dst(%arg9 : memref<32x1024xi32, #tpu.memory_space<vmem>>)
    %add3A_41 = arith.constant 0 : i32
    %add3A_42 = arith.addi %mul3A_2, %add3A_41 : i32
    %dma_start3A_43 = arith.constant 0 : i32
    %dma_start3A_44 = tpu.memref_slice %arg5[%add3A_42, %dma_start3A_43] : memref<2048x1024xi32, #tpu.memory_space<hbm>> -> memref<32x1024xi32, #tpu.memory_space<hbm>>
    %dma_start3A_45 = arith.constant 0 : i32
    %dma_start3A_46 = tpu.memref_slice %arg5[%add3A_42, %dma_start3A_45] : memref<2048x1024xi32, #tpu.memory_space<hbm>> -> memref<32x1024xi32, #tpu.memory_space<hbm>>
    tpu.enqueue_dma source(%arg9 : memref<32x1024xi32, #tpu.memory_space<vmem>>) target(%dma_start3A_46 : memref<32x1024xi32, #tpu.memory_space<hbm>>) target_semaphore(%arg15 : memref<!tpu.dma_semaphore, #tpu.memory_space<semaphore_mem>>)
    %dma_wait3A_47 = arith.constant 32 : i32
    %dma_wait3A_48 = tpu.memref_slice %arg7[%dma_wait3A_47] : memref<64xi32, #tpu.memory_space<vmem>> -> memref<32xi32, #tpu.memory_space<vmem>>
    %dma_wait3A_49 = arith.constant 0 : i32
    %dma_wait3A_50 = arith.constant 0 : i32
    %dma_wait3A_51 = tpu.memref_slice %arg2[%dma_wait3A_49, %dma_wait3A_50] : memref<5120x1024xi32, #tpu.memory_space<hbm>> -> memref<5120x1024xi32, #tpu.memory_space<hbm>>
    tpu.wait_indirect_dma semaphore(%arg13 : memref<!tpu.dma_semaphore, #tpu.memory_space<semaphore_mem>>) src(%dma_wait3A_51 : memref<5120x1024xi32, #tpu.memory_space<hbm>>) dst(%arg10 : memref<32x1024xi32, #tpu.memory_space<vmem>>)
    %add3A_52 = arith.constant 32 : i32
    %add3A_53 = arith.addi %mul3A_2, %add3A_52 : i32
    %dma_start3A_54 = arith.constant 0 : i32
    %dma_start3A_55 = tpu.memref_slice %arg5[%add3A_53, %dma_start3A_54] : memref<2048x1024xi32, #tpu.memory_space<hbm>> -> memref<32x1024xi32, #tpu.memory_space<hbm>>
    %dma_start3A_56 = arith.constant 0 : i32
    %dma_start3A_57 = tpu.memref_slice %arg5[%add3A_53, %dma_start3A_56] : memref<2048x1024xi32, #tpu.memory_space<hbm>> -> memref<32x1024xi32, #tpu.memory_space<hbm>>
    tpu.enqueue_dma source(%arg10 : memref<32x1024xi32, #tpu.memory_space<vmem>>) target(%dma_start3A_57 : memref<32x1024xi32, #tpu.memory_space<hbm>>) target_semaphore(%arg16 : memref<!tpu.dma_semaphore, #tpu.memory_space<semaphore_mem>>)
    %dma_wait3A_58 = arith.constant 0 : i32
    %dma_wait3A_59 = tpu.memref_slice %arg5[%add3A_42, %dma_wait3A_58] : memref<2048x1024xi32, #tpu.memory_space<hbm>> -> memref<32x1024xi32, #tpu.memory_space<hbm>>
    %dma_wait3A_60 = arith.constant 0 : i32
    %dma_wait3A_61 = tpu.memref_slice %arg5[%add3A_42, %dma_wait3A_60] : memref<2048x1024xi32, #tpu.memory_space<hbm>> -> memref<32x1024xi32, #tpu.memory_space<hbm>>
    tpu.wait_dma2 semaphore(%arg15 : memref<!tpu.dma_semaphore, #tpu.memory_space<semaphore_mem>>) src(%arg9 : memref<32x1024xi32, #tpu.memory_space<vmem>>) dst(%dma_wait3A_61 : memref<32x1024xi32, #tpu.memory_space<hbm>>)
    %dma_wait3A_62 = arith.constant 0 : i32
    %dma_wait3A_63 = tpu.memref_slice %arg5[%add3A_53, %dma_wait3A_62] : memref<2048x1024xi32, #tpu.memory_space<hbm>> -> memref<32x1024xi32, #tpu.memory_space<hbm>>
    %dma_wait3A_64 = arith.constant 0 : i32
    %dma_wait3A_65 = tpu.memref_slice %arg5[%add3A_53, %dma_wait3A_64] : memref<2048x1024xi32, #tpu.memory_space<hbm>> -> memref<32x1024xi32, #tpu.memory_space<hbm>>
    tpu.wait_dma2 semaphore(%arg16 : memref<!tpu.dma_semaphore, #tpu.memory_space<semaphore_mem>>) src(%arg10 : memref<32x1024xi32, #tpu.memory_space<vmem>>) dst(%dma_wait3A_65 : memref<32x1024xi32, #tpu.memory_space<hbm>>)
    "tpu.region"() ({
      %run_scoped3A = tpu.sem_alloc : memref<!tpu.dma_semaphore, #tpu.memory_space<semaphore_mem>>
      %dma_start3A_134 = tpu.memref_slice %arg4[%mul3A_2] : memref<2048xi32, #tpu.memory_space<hbm>> -> memref<64xi32, #tpu.memory_space<hbm>>
      %dma_start3A_135 = tpu.memref_slice %arg4[%mul3A_2] : memref<2048xi32, #tpu.memory_space<hbm>> -> memref<64xi32, #tpu.memory_space<hbm>>
      tpu.enqueue_dma source(%dma_start3A_135 : memref<64xi32, #tpu.memory_space<hbm>>) target(%arg8 : memref<64xi32, #tpu.memory_space<vmem>>) target_semaphore(%run_scoped3A : memref<!tpu.dma_semaphore, #tpu.memory_space<semaphore_mem>>)
      %dma_wait3A_136 = tpu.memref_slice %arg4[%mul3A_2] : memref<2048xi32, #tpu.memory_space<hbm>> -> memref<64xi32, #tpu.memory_space<hbm>>
      %dma_wait3A_137 = tpu.memref_slice %arg4[%mul3A_2] : memref<2048xi32, #tpu.memory_space<hbm>> -> memref<64xi32, #tpu.memory_space<hbm>>
      tpu.wait_dma2 semaphore(%run_scoped3A : memref<!tpu.dma_semaphore, #tpu.memory_space<semaphore_mem>>) src(%dma_wait3A_137 : memref<64xi32, #tpu.memory_space<hbm>>) dst(%arg8 : memref<64xi32, #tpu.memory_space<vmem>>)
      tpu.yield
    }) : () -> ()
    %get3A_66 = arith.constant 0 : index
    %get3A_67 = tpu.vector_load %arg8[%get3A_66] {strides = array<i32>} : memref<64xi32, #tpu.memory_space<vmem>>, vector<16xi32>,
    %min3A_68 = arith.constant 5119 : i32
    %min3A_69 = vector.broadcast %min3A_68 : i32 to vector<16xi32>
    %min3A_70 = arith.minsi %get3A_67, %min3A_69 : vector<16xi32>
    %swap3A_71 = arith.constant 0 : index
    %swap3A_72 = tpu.vector_load %arg8[%swap3A_71] {strides = array<i32>} : memref<64xi32, #tpu.memory_space<vmem>>, vector<16xi32>,
    tpu.vector_store %arg8[%swap3A_71], %min3A_70 {strides = array<i32>} : memref<64xi32, #tpu.memory_space<vmem>>, vector<16xi32>,
    %get3A_73 = arith.constant 16 : index
    %get3A_74 = tpu.vector_load %arg8[%get3A_73] {strides = array<i32>} : memref<64xi32, #tpu.memory_space<vmem>>, vector<16xi32>,
    %min3A_75 = arith.constant 5119 : i32
    %min3A_76 = vector.broadcast %min3A_75 : i32 to vector<16xi32>
    %min3A_77 = arith.minsi %get3A_74, %min3A_76 : vector<16xi32>
    %swap3A_78 = arith.constant 16 : index
    %swap3A_79 = tpu.vector_load %arg8[%swap3A_78] {strides = array<i32>} : memref<64xi32, #tpu.memory_space<vmem>>, vector<16xi32>,
    tpu.vector_store %arg8[%swap3A_78], %min3A_77 {strides = array<i32>} : memref<64xi32, #tpu.memory_space<vmem>>, vector<16xi32>,
    %get3A_80 = arith.constant 32 : index
    %get3A_81 = tpu.vector_load %arg8[%get3A_80] {strides = array<i32>} : memref<64xi32, #tpu.memory_space<vmem>>, vector<16xi32>,
    %min3A_82 = arith.constant 5119 : i32
    %min3A_83 = vector.broadcast %min3A_82 : i32 to vector<16xi32>
    %min3A_84 = arith.minsi %get3A_81, %min3A_83 : vector<16xi32>
    %swap3A_85 = arith.constant 32 : index
    %swap3A_86 = tpu.vector_load %arg8[%swap3A_85] {strides = array<i32>} : memref<64xi32, #tpu.memory_space<vmem>>, vector<16xi32>,
    tpu.vector_store %arg8[%swap3A_85], %min3A_84 {strides = array<i32>} : memref<64xi32, #tpu.memory_space<vmem>>, vector<16xi32>,
    %get3A_87 = arith.constant 48 : index
    %get3A_88 = tpu.vector_load %arg8[%get3A_87] {strides = array<i32>} : memref<64xi32, #tpu.memory_space<vmem>>, vector<16xi32>,
    %min3A_89 = arith.constant 5119 : i32
    %min3A_90 = vector.broadcast %min3A_89 : i32 to vector<16xi32>
    %min3A_91 = arith.minsi %get3A_88, %min3A_90 : vector<16xi32>
    %swap3A_92 = arith.constant 48 : index
    %swap3A_93 = tpu.vector_load %arg8[%swap3A_92] {strides = array<i32>} : memref<64xi32, #tpu.memory_space<vmem>>, vector<16xi32>,
    tpu.vector_store %arg8[%swap3A_92], %min3A_91 {strides = array<i32>} : memref<64xi32, #tpu.memory_space<vmem>>, vector<16xi32>,
    %dma_start3A_94 = arith.constant 0 : i32
    %dma_start3A_95 = tpu.memref_slice %arg8[%dma_start3A_94] : memref<64xi32, #tpu.memory_space<vmem>> -> memref<32xi32, #tpu.memory_space<vmem>>
    %dma_start3A_96 = arith.constant 0 : i32
    %dma_start3A_97 = arith.constant 0 : i32
    %dma_start3A_98 = tpu.memref_slice %arg2[%dma_start3A_96, %dma_start3A_97] : memref<5120x1024xi32, #tpu.memory_space<hbm>> -> memref<5120x1024xi32, #tpu.memory_space<hbm>>
    tpu.enqueue_indirect_dma source(%dma_start3A_98 : memref<5120x1024xi32, #tpu.memory_space<hbm>>) target(%arg9 : memref<32x1024xi32, #tpu.memory_space<vmem>>) offsets(%dma_start3A_95 : memref<32xi32, #tpu.memory_space<vmem>>) semaphore(%arg12 : memref<!tpu.dma_semaphore, #tpu.memory_space<semaphore_mem>>)
    %dma_start3A_99 = arith.constant 32 : i32
    %dma_start3A_100 = tpu.memref_slice %arg8[%dma_start3A_99] : memref<64xi32, #tpu.memory_space<vmem>> -> memref<32xi32, #tpu.memory_space<vmem>>
    %dma_start3A_101 = arith.constant 0 : i32
    %dma_start3A_102 = arith.constant 0 : i32
    %dma_start3A_103 = tpu.memref_slice %arg2[%dma_start3A_101, %dma_start3A_102] : memref<5120x1024xi32, #tpu.memory_space<hbm>> -> memref<5120x1024xi32, #tpu.memory_space<hbm>>
    tpu.enqueue_indirect_dma source(%dma_start3A_103 : memref<5120x1024xi32, #tpu.memory_space<hbm>>) target(%arg10 : memref<32x1024xi32, #tpu.memory_space<vmem>>) offsets(%dma_start3A_100 : memref<32xi32, #tpu.memory_space<vmem>>) semaphore(%arg13 : memref<!tpu.dma_semaphore, #tpu.memory_space<semaphore_mem>>)
    %dma_wait3A_104 = arith.constant 0 : i32
    %dma_wait3A_105 = tpu.memref_slice %arg8[%dma_wait3A_104] : memref<64xi32, #tpu.memory_space<vmem>> -> memref<32xi32, #tpu.memory_space<vmem>>
    %dma_wait3A_106 = arith.constant 0 : i32
    %dma_wait3A_107 = arith.constant 0 : i32
    %dma_wait3A_108 = tpu.memref_slice %arg2[%dma_wait3A_106, %dma_wait3A_107] : memref<5120x1024xi32, #tpu.memory_space<hbm>> -> memref<5120x1024xi32, #tpu.memory_space<hbm>>
    tpu.wait_indirect_dma semaphore(%arg12 : memref<!tpu.dma_semaphore, #tpu.memory_space<semaphore_mem>>) src(%dma_wait3A_108 : memref<5120x1024xi32, #tpu.memory_space<hbm>>) dst(%arg9 : memref<32x1024xi32, #tpu.memory_space<vmem>>)
    %add3A_109 = arith.constant 0 : i32
    %add3A_110 = arith.addi %mul3A_2, %add3A_109 : i32
    %dma_start3A_111 = arith.constant 0 : i32
    %dma_start3A_112 = tpu.memref_slice %arg6[%add3A_110, %dma_start3A_111] : memref<2048x1024xi32, #tpu.memory_space<hbm>> -> memref<32x1024xi32, #tpu.memory_space<hbm>>
    %dma_start3A_113 = arith.constant 0 : i32
    %dma_start3A_114 = tpu.memref_slice %arg6[%add3A_110, %dma_start3A_113] : memref<2048x1024xi32, #tpu.memory_space<hbm>> -> memref<32x1024xi32, #tpu.memory_space<hbm>>
    tpu.enqueue_dma source(%arg9 : memref<32x1024xi32, #tpu.memory_space<vmem>>) target(%dma_start3A_114 : memref<32x1024xi32, #tpu.memory_space<hbm>>) target_semaphore(%arg15 : memref<!tpu.dma_semaphore, #tpu.memory_space<semaphore_mem>>)
    %dma_wait3A_115 = arith.constant 32 : i32
    %dma_wait3A_116 = tpu.memref_slice %arg8[%dma_wait3A_115] : memref<64xi32, #tpu.memory_space<vmem>> -> memref<32xi32, #tpu.memory_space<vmem>>
    %dma_wait3A_117 = arith.constant 0 : i32
    %dma_wait3A_118 = arith.constant 0 : i32
    %dma_wait3A_119 = tpu.memref_slice %arg2[%dma_wait3A_117, %dma_wait3A_118] : memref<5120x1024xi32, #tpu.memory_space<hbm>> -> memref<5120x1024xi32, #tpu.memory_space<hbm>>
    tpu.wait_indirect_dma semaphore(%arg13 : memref<!tpu.dma_semaphore, #tpu.memory_space<semaphore_mem>>) src(%dma_wait3A_119 : memref<5120x1024xi32, #tpu.memory_space<hbm>>) dst(%arg10 : memref<32x1024xi32, #tpu.memory_space<vmem>>)
    %add3A_120 = arith.constant 32 : i32
    %add3A_121 = arith.addi %mul3A_2, %add3A_120 : i32
    %dma_start3A_122 = arith.constant 0 : i32
    %dma_start3A_123 = tpu.memref_slice %arg6[%add3A_121, %dma_start3A_122] : memref<2048x1024xi32, #tpu.memory_space<hbm>> -> memref<32x1024xi32, #tpu.memory_space<hbm>>
    %dma_start3A_124 = arith.constant 0 : i32
    %dma_start3A_125 = tpu.memref_slice %arg6[%add3A_121, %dma_start3A_124] : memref<2048x1024xi32, #tpu.memory_space<hbm>> -> memref<32x1024xi32, #tpu.memory_space<hbm>>
    tpu.enqueue_dma source(%arg10 : memref<32x1024xi32, #tpu.memory_space<vmem>>) target(%dma_start3A_125 : memref<32x1024xi32, #tpu.memory_space<hbm>>) target_semaphore(%arg16 : memref<!tpu.dma_semaphore, #tpu.memory_space<semaphore_mem>>)
    %dma_wait3A_126 = arith.constant 0 : i32
    %dma_wait3A_127 = tpu.memref_slice %arg6[%add3A_110, %dma_wait3A_126] : memref<2048x1024xi32, #tpu.memory_space<hbm>> -> memref<32x1024xi32, #tpu.memory_space<hbm>>
    %dma_wait3A_128 = arith.constant 0 : i32
    %dma_wait3A_129 = tpu.memref_slice %arg6[%add3A_110, %dma_wait3A_128] : memref<2048x1024xi32, #tpu.memory_space<hbm>> -> memref<32x1024xi32, #tpu.memory_space<hbm>>
    tpu.wait_dma2 semaphore(%arg15 : memref<!tpu.dma_semaphore, #tpu.memory_space<semaphore_mem>>) src(%arg9 : memref<32x1024xi32, #tpu.memory_space<vmem>>) dst(%dma_wait3A_129 : memref<32x1024xi32, #tpu.memory_space<hbm>>)
    %dma_wait3A_130 = arith.constant 0 : i32
    %dma_wait3A_131 = tpu.memref_slice %arg6[%add3A_121, %dma_wait3A_130] : memref<2048x1024xi32, #tpu.memory_space<hbm>> -> memref<32x1024xi32, #tpu.memory_space<hbm>>
    %dma_wait3A_132 = arith.constant 0 : i32
    %dma_wait3A_133 = tpu.memref_slice %arg6[%add3A_121, %dma_wait3A_132] : memref<2048x1024xi32, #tpu.memory_space<hbm>> -> memref<32x1024xi32, #tpu.memory_space<hbm>>
    tpu.wait_dma2 semaphore(%arg16 : memref<!tpu.dma_semaphore, #tpu.memory_space<semaphore_mem>>) src(%arg10 : memref<32x1024xi32, #tpu.memory_space<vmem>>) dst(%dma_wait3A_133 : memref<32x1024xi32, #tpu.memory_space<hbm>>)
    return
  }
}

#map = affine_map<(d0, d1) -> (0)>
#map1 = affine_map<(d0, d1) -> (0, 0)>
module attributes {stable_mosaic.version = 14 : i64} {
  func.func @_dispatch_body(%arg0: i32, %arg1: i32, %arg2: memref<4096xi32, #tpu.memory_space<hbm>>, %arg3: memref<2048x1024xi32, #tpu.memory_space<hbm>>, %arg4: memref<5120x1024xi32, #tpu.memory_space<hbm>>, %arg5: memref<4096xi32, #tpu.memory_space<vmem>>, %arg6: memref<160xi32, #tpu.memory_space<vmem>>, %arg7: memref<32x1024xi32, #tpu.memory_space<vmem>>, %arg8: memref<32x1024xi32, #tpu.memory_space<vmem>>, %arg9: memref<32x1024xi32, #tpu.memory_space<vmem>>, %arg10: memref<!tpu.dma_semaphore, #tpu.memory_space<semaphore_mem>>, %arg11: memref<!tpu.dma_semaphore, #tpu.memory_space<semaphore_mem>>, %arg12: memref<!tpu.dma_semaphore, #tpu.memory_space<semaphore_mem>>, %arg13: memref<!tpu.dma_semaphore, #tpu.memory_space<semaphore_mem>>, %arg14: memref<!tpu.dma_semaphore, #tpu.memory_space<semaphore_mem>>, %arg15: memref<!tpu.dma_semaphore, #tpu.memory_space<semaphore_mem>>) attributes {dimension_semantics = [#tpu.dimension_semantics<core_parallel>, #tpu.dimension_semantics<subcore_parallel>], iteration_bounds = array<i64: 2, 16>, scalar_prefetch = 0 : i64, scratch_operands = 11 : i64, tpu.core_type = #tpu.core_type<sc_vector_subcore>, window_params = [{transform_indices = #map}, {transform_indices = #map1}, {transform_indices = #map1}]} {
    %mul3A = arith.constant 2 : i32
    %mul3A_0 = arith.muli %arg1, %mul3A : i32
    %add3A = arith.addi %mul3A_0, %arg0 : i32
    %mul3A_1 = arith.constant 160 : i32
    %mul3A_2 = arith.muli %add3A, %mul3A_1 : i32
    "tpu.region"() ({
      %run_scoped3A = tpu.sem_alloc : memref<!tpu.dma_semaphore, #tpu.memory_space<semaphore_mem>>
      tpu.enqueue_dma source(%arg2 : memref<4096xi32, #tpu.memory_space<hbm>>) target(%arg5 : memref<4096xi32, #tpu.memory_space<vmem>>) target_semaphore(%run_scoped3A : memref<!tpu.dma_semaphore, #tpu.memory_space<semaphore_mem>>)
      tpu.wait_dma2 semaphore(%run_scoped3A : memref<!tpu.dma_semaphore, #tpu.memory_space<semaphore_mem>>) src(%arg2 : memref<4096xi32, #tpu.memory_space<hbm>>) dst(%arg5 : memref<4096xi32, #tpu.memory_space<vmem>>)
      tpu.yield
    }) : () -> ()
    %broadcast_in_dim3A = arith.constant 0 : i32
    %broadcast_in_dim3A_3 = vector.broadcast %broadcast_in_dim3A : i32 to vector<16xi32>
    %swap3A = arith.constant 0 : index
    %swap3A_4 = tpu.vector_load %arg6[%swap3A] {strides = array<i32>} : memref<160xi32, #tpu.memory_space<vmem>>, vector<16xi32>,
    tpu.vector_store %arg6[%swap3A], %broadcast_in_dim3A_3 {strides = array<i32>} : memref<160xi32, #tpu.memory_space<vmem>>, vector<16xi32>,
    %broadcast_in_dim3A_5 = arith.constant 0 : i32
    %broadcast_in_dim3A_6 = vector.broadcast %broadcast_in_dim3A_5 : i32 to vector<16xi32>
    %swap3A_7 = arith.constant 16 : index
    %swap3A_8 = tpu.vector_load %arg6[%swap3A_7] {strides = array<i32>} : memref<160xi32, #tpu.memory_space<vmem>>, vector<16xi32>,
    tpu.vector_store %arg6[%swap3A_7], %broadcast_in_dim3A_6 {strides = array<i32>} : memref<160xi32, #tpu.memory_space<vmem>>, vector<16xi32>,
    %broadcast_in_dim3A_9 = arith.constant 0 : i32
    %broadcast_in_dim3A_10 = vector.broadcast %broadcast_in_dim3A_9 : i32 to vector<16xi32>
    %swap3A_11 = arith.constant 32 : index
    %swap3A_12 = tpu.vector_load %arg6[%swap3A_11] {strides = array<i32>} : memref<160xi32, #tpu.memory_space<vmem>>, vector<16xi32>,
    tpu.vector_store %arg6[%swap3A_11], %broadcast_in_dim3A_10 {strides = array<i32>} : memref<160xi32, #tpu.memory_space<vmem>>, vector<16xi32>,
    %broadcast_in_dim3A_13 = arith.constant 0 : i32
    %broadcast_in_dim3A_14 = vector.broadcast %broadcast_in_dim3A_13 : i32 to vector<16xi32>
    %swap3A_15 = arith.constant 48 : index
    %swap3A_16 = tpu.vector_load %arg6[%swap3A_15] {strides = array<i32>} : memref<160xi32, #tpu.memory_space<vmem>>, vector<16xi32>,
    tpu.vector_store %arg6[%swap3A_15], %broadcast_in_dim3A_14 {strides = array<i32>} : memref<160xi32, #tpu.memory_space<vmem>>, vector<16xi32>,
    %broadcast_in_dim3A_17 = arith.constant 0 : i32
    %broadcast_in_dim3A_18 = vector.broadcast %broadcast_in_dim3A_17 : i32 to vector<16xi32>
    %swap3A_19 = arith.constant 64 : index
    %swap3A_20 = tpu.vector_load %arg6[%swap3A_19] {strides = array<i32>} : memref<160xi32, #tpu.memory_space<vmem>>, vector<16xi32>,
    tpu.vector_store %arg6[%swap3A_19], %broadcast_in_dim3A_18 {strides = array<i32>} : memref<160xi32, #tpu.memory_space<vmem>>, vector<16xi32>,
    %broadcast_in_dim3A_21 = arith.constant 0 : i32
    %broadcast_in_dim3A_22 = vector.broadcast %broadcast_in_dim3A_21 : i32 to vector<16xi32>
    %swap3A_23 = arith.constant 80 : index
    %swap3A_24 = tpu.vector_load %arg6[%swap3A_23] {strides = array<i32>} : memref<160xi32, #tpu.memory_space<vmem>>, vector<16xi32>,
    tpu.vector_store %arg6[%swap3A_23], %broadcast_in_dim3A_22 {strides = array<i32>} : memref<160xi32, #tpu.memory_space<vmem>>, vector<16xi32>,
    %broadcast_in_dim3A_25 = arith.constant 0 : i32
    %broadcast_in_dim3A_26 = vector.broadcast %broadcast_in_dim3A_25 : i32 to vector<16xi32>
    %swap3A_27 = arith.constant 96 : index
    %swap3A_28 = tpu.vector_load %arg6[%swap3A_27] {strides = array<i32>} : memref<160xi32, #tpu.memory_space<vmem>>, vector<16xi32>,
    tpu.vector_store %arg6[%swap3A_27], %broadcast_in_dim3A_26 {strides = array<i32>} : memref<160xi32, #tpu.memory_space<vmem>>, vector<16xi32>,
    %broadcast_in_dim3A_29 = arith.constant 0 : i32
    %broadcast_in_dim3A_30 = vector.broadcast %broadcast_in_dim3A_29 : i32 to vector<16xi32>
    %swap3A_31 = arith.constant 112 : index
    %swap3A_32 = tpu.vector_load %arg6[%swap3A_31] {strides = array<i32>} : memref<160xi32, #tpu.memory_space<vmem>>, vector<16xi32>,
    tpu.vector_store %arg6[%swap3A_31], %broadcast_in_dim3A_30 {strides = array<i32>} : memref<160xi32, #tpu.memory_space<vmem>>, vector<16xi32>,
    %broadcast_in_dim3A_33 = arith.constant 0 : i32
    %broadcast_in_dim3A_34 = vector.broadcast %broadcast_in_dim3A_33 : i32 to vector<16xi32>
    %swap3A_35 = arith.constant 128 : index
    %swap3A_36 = tpu.vector_load %arg6[%swap3A_35] {strides = array<i32>} : memref<160xi32, #tpu.memory_space<vmem>>, vector<16xi32>,
    tpu.vector_store %arg6[%swap3A_35], %broadcast_in_dim3A_34 {strides = array<i32>} : memref<160xi32, #tpu.memory_space<vmem>>, vector<16xi32>,
    %broadcast_in_dim3A_37 = arith.constant 0 : i32
    %broadcast_in_dim3A_38 = vector.broadcast %broadcast_in_dim3A_37 : i32 to vector<16xi32>
    %swap3A_39 = arith.constant 144 : index
    %swap3A_40 = tpu.vector_load %arg6[%swap3A_39] {strides = array<i32>} : memref<160xi32, #tpu.memory_space<vmem>>, vector<16xi32>,
    tpu.vector_store %arg6[%swap3A_39], %broadcast_in_dim3A_38 {strides = array<i32>} : memref<160xi32, #tpu.memory_space<vmem>>, vector<16xi32>,
    %iota3A = tpu.iota {dimensions = array<i32: 0>} : vector<16xi32>
    %scan3A = arith.constant 0 : i32
    %scan3A_41 = arith.constant 0 : i32
    %scan3A_42 = arith.constant 64 : i32
    %scan3A_43 = arith.addi %scan3A_41, %scan3A_42 : i32
    %scan3A_44 = arith.constant 1 : i32
    scf.for %scan3A_144 = %scan3A_41 to %scan3A_43 step %scan3A_44  : i32 {
      %mul3A_145 = arith.constant 64 : i32
      %mul3A_146 = arith.muli %scan3A_144, %mul3A_145 : i32
      %add3A_147 = arith.constant 0 : i32
      %add3A_148 = arith.addi %mul3A_146, %add3A_147 : i32
      %get3A = arith.index_cast %add3A_148 : i32 to index
      %get3A_149 = tpu.vector_load %arg5[%get3A] {strides = array<i32>} : memref<4096xi32, #tpu.memory_space<vmem>>, vector<16xi32>,
      %add3A_150 = vector.broadcast %add3A_148 : i32 to vector<16xi32>
      %add3A_151 = arith.addi %add3A_150, %iota3A : vector<16xi32>
      %shift_right_arithmetic3A = arith.constant 1 : i32
      %shift_right_arithmetic3A_152 = vector.broadcast %shift_right_arithmetic3A : i32 to vector<16xi32>
      %shift_right_arithmetic3A_153 = arith.shrsi %add3A_151, %shift_right_arithmetic3A_152 : vector<16xi32>
      %sub3A = vector.broadcast %mul3A_2 : i32 to vector<16xi32>
      %sub3A_154 = arith.subi %get3A_149, %sub3A : vector<16xi32>
      %ge3A = arith.constant 0 : i32
      %ge3A_155 = vector.broadcast %ge3A : i32 to vector<16xi32>
      %ge3A_156 = arith.cmpi sge, %sub3A_154, %ge3A_155 : vector<16xi32>
      %lt3A = arith.constant 160 : i32
      %lt3A_157 = vector.broadcast %lt3A : i32 to vector<16xi32>
      %lt3A_158 = arith.cmpi slt, %sub3A_154, %lt3A_157 : vector<16xi32>
      %and3A = arith.andi %ge3A_156, %lt3A_158 : vector<16xi1>
      %max3A = arith.constant 0 : i32
      %max3A_159 = vector.broadcast %max3A : i32 to vector<16xi32>
      %max3A_160 = arith.maxsi %sub3A_154, %max3A_159 : vector<16xi32>
      %min3A = arith.constant 159 : i32
      %min3A_161 = vector.broadcast %min3A : i32 to vector<16xi32>
      %min3A_162 = arith.minsi %max3A_160, %min3A_161 : vector<16xi32>
      tpu.vector_store_idx %arg6[%min3A_162], %shift_right_arithmetic3A_153 masked %and3A : memref<160xi32, #tpu.memory_space<vmem>>[vector<16xi32>], vector<16xi32>, vector<16xi1>
      %mul3A_163 = arith.constant 64 : i32
      %mul3A_164 = arith.muli %scan3A_144, %mul3A_163 : i32
      %add3A_165 = arith.constant 16 : i32
      %add3A_166 = arith.addi %mul3A_164, %add3A_165 : i32
      %get3A_167 = arith.index_cast %add3A_166 : i32 to index
      %get3A_168 = tpu.vector_load %arg5[%get3A_167] {strides = array<i32>} : memref<4096xi32, #tpu.memory_space<vmem>>, vector<16xi32>,
      %add3A_169 = vector.broadcast %add3A_166 : i32 to vector<16xi32>
      %add3A_170 = arith.addi %add3A_169, %iota3A : vector<16xi32>
      %shift_right_arithmetic3A_171 = arith.constant 1 : i32
      %shift_right_arithmetic3A_172 = vector.broadcast %shift_right_arithmetic3A_171 : i32 to vector<16xi32>
      %shift_right_arithmetic3A_173 = arith.shrsi %add3A_170, %shift_right_arithmetic3A_172 : vector<16xi32>
      %sub3A_174 = vector.broadcast %mul3A_2 : i32 to vector<16xi32>
      %sub3A_175 = arith.subi %get3A_168, %sub3A_174 : vector<16xi32>
      %ge3A_176 = arith.constant 0 : i32
      %ge3A_177 = vector.broadcast %ge3A_176 : i32 to vector<16xi32>
      %ge3A_178 = arith.cmpi sge, %sub3A_175, %ge3A_177 : vector<16xi32>
      %lt3A_179 = arith.constant 160 : i32
      %lt3A_180 = vector.broadcast %lt3A_179 : i32 to vector<16xi32>
      %lt3A_181 = arith.cmpi slt, %sub3A_175, %lt3A_180 : vector<16xi32>
      %and3A_182 = arith.andi %ge3A_178, %lt3A_181 : vector<16xi1>
      %max3A_183 = arith.constant 0 : i32
      %max3A_184 = vector.broadcast %max3A_183 : i32 to vector<16xi32>
      %max3A_185 = arith.maxsi %sub3A_175, %max3A_184 : vector<16xi32>
      %min3A_186 = arith.constant 159 : i32
      %min3A_187 = vector.broadcast %min3A_186 : i32 to vector<16xi32>
      %min3A_188 = arith.minsi %max3A_185, %min3A_187 : vector<16xi32>
      tpu.vector_store_idx %arg6[%min3A_188], %shift_right_arithmetic3A_173 masked %and3A_182 : memref<160xi32, #tpu.memory_space<vmem>>[vector<16xi32>], vector<16xi32>, vector<16xi1>
      %mul3A_189 = arith.constant 64 : i32
      %mul3A_190 = arith.muli %scan3A_144, %mul3A_189 : i32
      %add3A_191 = arith.constant 32 : i32
      %add3A_192 = arith.addi %mul3A_190, %add3A_191 : i32
      %get3A_193 = arith.index_cast %add3A_192 : i32 to index
      %get3A_194 = tpu.vector_load %arg5[%get3A_193] {strides = array<i32>} : memref<4096xi32, #tpu.memory_space<vmem>>, vector<16xi32>,
      %add3A_195 = vector.broadcast %add3A_192 : i32 to vector<16xi32>
      %add3A_196 = arith.addi %add3A_195, %iota3A : vector<16xi32>
      %shift_right_arithmetic3A_197 = arith.constant 1 : i32
      %shift_right_arithmetic3A_198 = vector.broadcast %shift_right_arithmetic3A_197 : i32 to vector<16xi32>
      %shift_right_arithmetic3A_199 = arith.shrsi %add3A_196, %shift_right_arithmetic3A_198 : vector<16xi32>
      %sub3A_200 = vector.broadcast %mul3A_2 : i32 to vector<16xi32>
      %sub3A_201 = arith.subi %get3A_194, %sub3A_200 : vector<16xi32>
      %ge3A_202 = arith.constant 0 : i32
      %ge3A_203 = vector.broadcast %ge3A_202 : i32 to vector<16xi32>
      %ge3A_204 = arith.cmpi sge, %sub3A_201, %ge3A_203 : vector<16xi32>
      %lt3A_205 = arith.constant 160 : i32
      %lt3A_206 = vector.broadcast %lt3A_205 : i32 to vector<16xi32>
      %lt3A_207 = arith.cmpi slt, %sub3A_201, %lt3A_206 : vector<16xi32>
      %and3A_208 = arith.andi %ge3A_204, %lt3A_207 : vector<16xi1>
      %max3A_209 = arith.constant 0 : i32
      %max3A_210 = vector.broadcast %max3A_209 : i32 to vector<16xi32>
      %max3A_211 = arith.maxsi %sub3A_201, %max3A_210 : vector<16xi32>
      %min3A_212 = arith.constant 159 : i32
      %min3A_213 = vector.broadcast %min3A_212 : i32 to vector<16xi32>
      %min3A_214 = arith.minsi %max3A_211, %min3A_213 : vector<16xi32>
      tpu.vector_store_idx %arg6[%min3A_214], %shift_right_arithmetic3A_199 masked %and3A_208 : memref<160xi32, #tpu.memory_space<vmem>>[vector<16xi32>], vector<16xi32>, vector<16xi1>
      %mul3A_215 = arith.constant 64 : i32
      %mul3A_216 = arith.muli %scan3A_144, %mul3A_215 : i32
      %add3A_217 = arith.constant 48 : i32
      %add3A_218 = arith.addi %mul3A_216, %add3A_217 : i32
      %get3A_219 = arith.index_cast %add3A_218 : i32 to index
      %get3A_220 = tpu.vector_load %arg5[%get3A_219] {strides = array<i32>} : memref<4096xi32, #tpu.memory_space<vmem>>, vector<16xi32>,
      %add3A_221 = vector.broadcast %add3A_218 : i32 to vector<16xi32>
      %add3A_222 = arith.addi %add3A_221, %iota3A : vector<16xi32>
      %shift_right_arithmetic3A_223 = arith.constant 1 : i32
      %shift_right_arithmetic3A_224 = vector.broadcast %shift_right_arithmetic3A_223 : i32 to vector<16xi32>
      %shift_right_arithmetic3A_225 = arith.shrsi %add3A_222, %shift_right_arithmetic3A_224 : vector<16xi32>
      %sub3A_226 = vector.broadcast %mul3A_2 : i32 to vector<16xi32>
      %sub3A_227 = arith.subi %get3A_220, %sub3A_226 : vector<16xi32>
      %ge3A_228 = arith.constant 0 : i32
      %ge3A_229 = vector.broadcast %ge3A_228 : i32 to vector<16xi32>
      %ge3A_230 = arith.cmpi sge, %sub3A_227, %ge3A_229 : vector<16xi32>
      %lt3A_231 = arith.constant 160 : i32
      %lt3A_232 = vector.broadcast %lt3A_231 : i32 to vector<16xi32>
      %lt3A_233 = arith.cmpi slt, %sub3A_227, %lt3A_232 : vector<16xi32>
      %and3A_234 = arith.andi %ge3A_230, %lt3A_233 : vector<16xi1>
      %max3A_235 = arith.constant 0 : i32
      %max3A_236 = vector.broadcast %max3A_235 : i32 to vector<16xi32>
      %max3A_237 = arith.maxsi %sub3A_227, %max3A_236 : vector<16xi32>
      %min3A_238 = arith.constant 159 : i32
      %min3A_239 = vector.broadcast %min3A_238 : i32 to vector<16xi32>
      %min3A_240 = arith.minsi %max3A_237, %min3A_239 : vector<16xi32>
      tpu.vector_store_idx %arg6[%min3A_240], %shift_right_arithmetic3A_225 masked %and3A_234 : memref<160xi32, #tpu.memory_space<vmem>>[vector<16xi32>], vector<16xi32>, vector<16xi1>
    }
    %scan3A_45 = arith.constant 64 : i32
    %dma_start3A = arith.constant 0 : i32
    %dma_start3A_46 = tpu.memref_slice %arg6[%dma_start3A] : memref<160xi32, #tpu.memory_space<vmem>> -> memref<32xi32, #tpu.memory_space<vmem>>
    %dma_start3A_47 = arith.constant 0 : i32
    %dma_start3A_48 = arith.constant 0 : i32
    %dma_start3A_49 = tpu.memref_slice %arg3[%dma_start3A_47, %dma_start3A_48] : memref<2048x1024xi32, #tpu.memory_space<hbm>> -> memref<2048x1024xi32, #tpu.memory_space<hbm>>
    tpu.enqueue_indirect_dma source(%dma_start3A_49 : memref<2048x1024xi32, #tpu.memory_space<hbm>>) target(%arg7 : memref<32x1024xi32, #tpu.memory_space<vmem>>) offsets(%dma_start3A_46 : memref<32xi32, #tpu.memory_space<vmem>>) semaphore(%arg10 : memref<!tpu.dma_semaphore, #tpu.memory_space<semaphore_mem>>)
    %dma_start3A_50 = arith.constant 32 : i32
    %dma_start3A_51 = tpu.memref_slice %arg6[%dma_start3A_50] : memref<160xi32, #tpu.memory_space<vmem>> -> memref<32xi32, #tpu.memory_space<vmem>>
    %dma_start3A_52 = arith.constant 0 : i32
    %dma_start3A_53 = arith.constant 0 : i32
    %dma_start3A_54 = tpu.memref_slice %arg3[%dma_start3A_52, %dma_start3A_53] : memref<2048x1024xi32, #tpu.memory_space<hbm>> -> memref<2048x1024xi32, #tpu.memory_space<hbm>>
    tpu.enqueue_indirect_dma source(%dma_start3A_54 : memref<2048x1024xi32, #tpu.memory_space<hbm>>) target(%arg8 : memref<32x1024xi32, #tpu.memory_space<vmem>>) offsets(%dma_start3A_51 : memref<32xi32, #tpu.memory_space<vmem>>) semaphore(%arg11 : memref<!tpu.dma_semaphore, #tpu.memory_space<semaphore_mem>>)
    %dma_start3A_55 = arith.constant 64 : i32
    %dma_start3A_56 = tpu.memref_slice %arg6[%dma_start3A_55] : memref<160xi32, #tpu.memory_space<vmem>> -> memref<32xi32, #tpu.memory_space<vmem>>
    %dma_start3A_57 = arith.constant 0 : i32
    %dma_start3A_58 = arith.constant 0 : i32
    %dma_start3A_59 = tpu.memref_slice %arg3[%dma_start3A_57, %dma_start3A_58] : memref<2048x1024xi32, #tpu.memory_space<hbm>> -> memref<2048x1024xi32, #tpu.memory_space<hbm>>
    tpu.enqueue_indirect_dma source(%dma_start3A_59 : memref<2048x1024xi32, #tpu.memory_space<hbm>>) target(%arg9 : memref<32x1024xi32, #tpu.memory_space<vmem>>) offsets(%dma_start3A_56 : memref<32xi32, #tpu.memory_space<vmem>>) semaphore(%arg12 : memref<!tpu.dma_semaphore, #tpu.memory_space<semaphore_mem>>)
    %dma_wait3A = arith.constant 0 : i32
    %dma_wait3A_60 = tpu.memref_slice %arg6[%dma_wait3A] : memref<160xi32, #tpu.memory_space<vmem>> -> memref<32xi32, #tpu.memory_space<vmem>>
    %dma_wait3A_61 = arith.constant 0 : i32
    %dma_wait3A_62 = arith.constant 0 : i32
    %dma_wait3A_63 = tpu.memref_slice %arg3[%dma_wait3A_61, %dma_wait3A_62] : memref<2048x1024xi32, #tpu.memory_space<hbm>> -> memref<2048x1024xi32, #tpu.memory_space<hbm>>
    tpu.wait_indirect_dma semaphore(%arg10 : memref<!tpu.dma_semaphore, #tpu.memory_space<semaphore_mem>>) src(%dma_wait3A_63 : memref<2048x1024xi32, #tpu.memory_space<hbm>>) dst(%arg7 : memref<32x1024xi32, #tpu.memory_space<vmem>>)
    %add3A_64 = arith.constant 0 : i32
    %add3A_65 = arith.addi %mul3A_2, %add3A_64 : i32
    %dma_start3A_66 = arith.constant 0 : i32
    %dma_start3A_67 = tpu.memref_slice %arg4[%add3A_65, %dma_start3A_66] : memref<5120x1024xi32, #tpu.memory_space<hbm>> -> memref<32x1024xi32, #tpu.memory_space<hbm>>
    %dma_start3A_68 = arith.constant 0 : i32
    %dma_start3A_69 = tpu.memref_slice %arg4[%add3A_65, %dma_start3A_68] : memref<5120x1024xi32, #tpu.memory_space<hbm>> -> memref<32x1024xi32, #tpu.memory_space<hbm>>
    tpu.enqueue_dma source(%arg7 : memref<32x1024xi32, #tpu.memory_space<vmem>>) target(%dma_start3A_69 : memref<32x1024xi32, #tpu.memory_space<hbm>>) target_semaphore(%arg13 : memref<!tpu.dma_semaphore, #tpu.memory_space<semaphore_mem>>)
    %dma_wait3A_70 = arith.constant 0 : i32
    %dma_wait3A_71 = tpu.memref_slice %arg4[%add3A_65, %dma_wait3A_70] : memref<5120x1024xi32, #tpu.memory_space<hbm>> -> memref<32x1024xi32, #tpu.memory_space<hbm>>
    %dma_wait3A_72 = arith.constant 0 : i32
    %dma_wait3A_73 = tpu.memref_slice %arg4[%add3A_65, %dma_wait3A_72] : memref<5120x1024xi32, #tpu.memory_space<hbm>> -> memref<32x1024xi32, #tpu.memory_space<hbm>>
    tpu.wait_dma2 semaphore(%arg13 : memref<!tpu.dma_semaphore, #tpu.memory_space<semaphore_mem>>) src(%arg7 : memref<32x1024xi32, #tpu.memory_space<vmem>>) dst(%dma_wait3A_73 : memref<32x1024xi32, #tpu.memory_space<hbm>>)
    %dma_start3A_74 = arith.constant 96 : i32
    %dma_start3A_75 = tpu.memref_slice %arg6[%dma_start3A_74] : memref<160xi32, #tpu.memory_space<vmem>> -> memref<32xi32, #tpu.memory_space<vmem>>
    %dma_start3A_76 = arith.constant 0 : i32
    %dma_start3A_77 = arith.constant 0 : i32
    %dma_start3A_78 = tpu.memref_slice %arg3[%dma_start3A_76, %dma_start3A_77] : memref<2048x1024xi32, #tpu.memory_space<hbm>> -> memref<2048x1024xi32, #tpu.memory_space<hbm>>
    tpu.enqueue_indirect_dma source(%dma_start3A_78 : memref<2048x1024xi32, #tpu.memory_space<hbm>>) target(%arg7 : memref<32x1024xi32, #tpu.memory_space<vmem>>) offsets(%dma_start3A_75 : memref<32xi32, #tpu.memory_space<vmem>>) semaphore(%arg10 : memref<!tpu.dma_semaphore, #tpu.memory_space<semaphore_mem>>)
    %dma_wait3A_79 = arith.constant 32 : i32
    %dma_wait3A_80 = tpu.memref_slice %arg6[%dma_wait3A_79] : memref<160xi32, #tpu.memory_space<vmem>> -> memref<32xi32, #tpu.memory_space<vmem>>
    %dma_wait3A_81 = arith.constant 0 : i32
    %dma_wait3A_82 = arith.constant 0 : i32
    %dma_wait3A_83 = tpu.memref_slice %arg3[%dma_wait3A_81, %dma_wait3A_82] : memref<2048x1024xi32, #tpu.memory_space<hbm>> -> memref<2048x1024xi32, #tpu.memory_space<hbm>>
    tpu.wait_indirect_dma semaphore(%arg11 : memref<!tpu.dma_semaphore, #tpu.memory_space<semaphore_mem>>) src(%dma_wait3A_83 : memref<2048x1024xi32, #tpu.memory_space<hbm>>) dst(%arg8 : memref<32x1024xi32, #tpu.memory_space<vmem>>)
    %add3A_84 = arith.constant 32 : i32
    %add3A_85 = arith.addi %mul3A_2, %add3A_84 : i32
    %dma_start3A_86 = arith.constant 0 : i32
    %dma_start3A_87 = tpu.memref_slice %arg4[%add3A_85, %dma_start3A_86] : memref<5120x1024xi32, #tpu.memory_space<hbm>> -> memref<32x1024xi32, #tpu.memory_space<hbm>>
    %dma_start3A_88 = arith.constant 0 : i32
    %dma_start3A_89 = tpu.memref_slice %arg4[%add3A_85, %dma_start3A_88] : memref<5120x1024xi32, #tpu.memory_space<hbm>> -> memref<32x1024xi32, #tpu.memory_space<hbm>>
    tpu.enqueue_dma source(%arg8 : memref<32x1024xi32, #tpu.memory_space<vmem>>) target(%dma_start3A_89 : memref<32x1024xi32, #tpu.memory_space<hbm>>) target_semaphore(%arg14 : memref<!tpu.dma_semaphore, #tpu.memory_space<semaphore_mem>>)
    %dma_wait3A_90 = arith.constant 0 : i32
    %dma_wait3A_91 = tpu.memref_slice %arg4[%add3A_85, %dma_wait3A_90] : memref<5120x1024xi32, #tpu.memory_space<hbm>> -> memref<32x1024xi32, #tpu.memory_space<hbm>>
    %dma_wait3A_92 = arith.constant 0 : i32
    %dma_wait3A_93 = tpu.memref_slice %arg4[%add3A_85, %dma_wait3A_92] : memref<5120x1024xi32, #tpu.memory_space<hbm>> -> memref<32x1024xi32, #tpu.memory_space<hbm>>
    tpu.wait_dma2 semaphore(%arg14 : memref<!tpu.dma_semaphore, #tpu.memory_space<semaphore_mem>>) src(%arg8 : memref<32x1024xi32, #tpu.memory_space<vmem>>) dst(%dma_wait3A_93 : memref<32x1024xi32, #tpu.memory_space<hbm>>)
    %dma_start3A_94 = arith.constant 128 : i32
    %dma_start3A_95 = tpu.memref_slice %arg6[%dma_start3A_94] : memref<160xi32, #tpu.memory_space<vmem>> -> memref<32xi32, #tpu.memory_space<vmem>>
    %dma_start3A_96 = arith.constant 0 : i32
    %dma_start3A_97 = arith.constant 0 : i32
    %dma_start3A_98 = tpu.memref_slice %arg3[%dma_start3A_96, %dma_start3A_97] : memref<2048x1024xi32, #tpu.memory_space<hbm>> -> memref<2048x1024xi32, #tpu.memory_space<hbm>>
    tpu.enqueue_indirect_dma source(%dma_start3A_98 : memref<2048x1024xi32, #tpu.memory_space<hbm>>) target(%arg8 : memref<32x1024xi32, #tpu.memory_space<vmem>>) offsets(%dma_start3A_95 : memref<32xi32, #tpu.memory_space<vmem>>) semaphore(%arg11 : memref<!tpu.dma_semaphore, #tpu.memory_space<semaphore_mem>>)
    %dma_wait3A_99 = arith.constant 64 : i32
    %dma_wait3A_100 = tpu.memref_slice %arg6[%dma_wait3A_99] : memref<160xi32, #tpu.memory_space<vmem>> -> memref<32xi32, #tpu.memory_space<vmem>>
    %dma_wait3A_101 = arith.constant 0 : i32
    %dma_wait3A_102 = arith.constant 0 : i32
    %dma_wait3A_103 = tpu.memref_slice %arg3[%dma_wait3A_101, %dma_wait3A_102] : memref<2048x1024xi32, #tpu.memory_space<hbm>> -> memref<2048x1024xi32, #tpu.memory_space<hbm>>
    tpu.wait_indirect_dma semaphore(%arg12 : memref<!tpu.dma_semaphore, #tpu.memory_space<semaphore_mem>>) src(%dma_wait3A_103 : memref<2048x1024xi32, #tpu.memory_space<hbm>>) dst(%arg9 : memref<32x1024xi32, #tpu.memory_space<vmem>>)
    %add3A_104 = arith.constant 64 : i32
    %add3A_105 = arith.addi %mul3A_2, %add3A_104 : i32
    %dma_start3A_106 = arith.constant 0 : i32
    %dma_start3A_107 = tpu.memref_slice %arg4[%add3A_105, %dma_start3A_106] : memref<5120x1024xi32, #tpu.memory_space<hbm>> -> memref<32x1024xi32, #tpu.memory_space<hbm>>
    %dma_start3A_108 = arith.constant 0 : i32
    %dma_start3A_109 = tpu.memref_slice %arg4[%add3A_105, %dma_start3A_108] : memref<5120x1024xi32, #tpu.memory_space<hbm>> -> memref<32x1024xi32, #tpu.memory_space<hbm>>
    tpu.enqueue_dma source(%arg9 : memref<32x1024xi32, #tpu.memory_space<vmem>>) target(%dma_start3A_109 : memref<32x1024xi32, #tpu.memory_space<hbm>>) target_semaphore(%arg15 : memref<!tpu.dma_semaphore, #tpu.memory_space<semaphore_mem>>)
    %dma_wait3A_110 = arith.constant 96 : i32
    %dma_wait3A_111 = tpu.memref_slice %arg6[%dma_wait3A_110] : memref<160xi32, #tpu.memory_space<vmem>> -> memref<32xi32, #tpu.memory_space<vmem>>
    %dma_wait3A_112 = arith.constant 0 : i32
    %dma_wait3A_113 = arith.constant 0 : i32
    %dma_wait3A_114 = tpu.memref_slice %arg3[%dma_wait3A_112, %dma_wait3A_113] : memref<2048x1024xi32, #tpu.memory_space<hbm>> -> memref<2048x1024xi32, #tpu.memory_space<hbm>>
    tpu.wait_indirect_dma semaphore(%arg10 : memref<!tpu.dma_semaphore, #tpu.memory_space<semaphore_mem>>) src(%dma_wait3A_114 : memref<2048x1024xi32, #tpu.memory_space<hbm>>) dst(%arg7 : memref<32x1024xi32, #tpu.memory_space<vmem>>)
    %add3A_115 = arith.constant 96 : i32
    %add3A_116 = arith.addi %mul3A_2, %add3A_115 : i32
    %dma_start3A_117 = arith.constant 0 : i32
    %dma_start3A_118 = tpu.memref_slice %arg4[%add3A_116, %dma_start3A_117] : memref<5120x1024xi32, #tpu.memory_space<hbm>> -> memref<32x1024xi32, #tpu.memory_space<hbm>>
    %dma_start3A_119 = arith.constant 0 : i32
    %dma_start3A_120 = tpu.memref_slice %arg4[%add3A_116, %dma_start3A_119] : memref<5120x1024xi32, #tpu.memory_space<hbm>> -> memref<32x1024xi32, #tpu.memory_space<hbm>>
    tpu.enqueue_dma source(%arg7 : memref<32x1024xi32, #tpu.memory_space<vmem>>) target(%dma_start3A_120 : memref<32x1024xi32, #tpu.memory_space<hbm>>) target_semaphore(%arg13 : memref<!tpu.dma_semaphore, #tpu.memory_space<semaphore_mem>>)
    %dma_wait3A_121 = arith.constant 128 : i32
    %dma_wait3A_122 = tpu.memref_slice %arg6[%dma_wait3A_121] : memref<160xi32, #tpu.memory_space<vmem>> -> memref<32xi32, #tpu.memory_space<vmem>>
    %dma_wait3A_123 = arith.constant 0 : i32
    %dma_wait3A_124 = arith.constant 0 : i32
    %dma_wait3A_125 = tpu.memref_slice %arg3[%dma_wait3A_123, %dma_wait3A_124] : memref<2048x1024xi32, #tpu.memory_space<hbm>> -> memref<2048x1024xi32, #tpu.memory_space<hbm>>
    tpu.wait_indirect_dma semaphore(%arg11 : memref<!tpu.dma_semaphore, #tpu.memory_space<semaphore_mem>>) src(%dma_wait3A_125 : memref<2048x1024xi32, #tpu.memory_space<hbm>>) dst(%arg8 : memref<32x1024xi32, #tpu.memory_space<vmem>>)
    %add3A_126 = arith.constant 128 : i32
    %add3A_127 = arith.addi %mul3A_2, %add3A_126 : i32
    %dma_start3A_128 = arith.constant 0 : i32
    %dma_start3A_129 = tpu.memref_slice %arg4[%add3A_127, %dma_start3A_128] : memref<5120x1024xi32, #tpu.memory_space<hbm>> -> memref<32x1024xi32, #tpu.memory_space<hbm>>
    %dma_start3A_130 = arith.constant 0 : i32
    %dma_start3A_131 = tpu.memref_slice %arg4[%add3A_127, %dma_start3A_130] : memref<5120x1024xi32, #tpu.memory_space<hbm>> -> memref<32x1024xi32, #tpu.memory_space<hbm>>
    tpu.enqueue_dma source(%arg8 : memref<32x1024xi32, #tpu.memory_space<vmem>>) target(%dma_start3A_131 : memref<32x1024xi32, #tpu.memory_space<hbm>>) target_semaphore(%arg14 : memref<!tpu.dma_semaphore, #tpu.memory_space<semaphore_mem>>)
    %dma_wait3A_132 = arith.constant 0 : i32
    %dma_wait3A_133 = tpu.memref_slice %arg4[%add3A_105, %dma_wait3A_132] : memref<5120x1024xi32, #tpu.memory_space<hbm>> -> memref<32x1024xi32, #tpu.memory_space<hbm>>
    %dma_wait3A_134 = arith.constant 0 : i32
    %dma_wait3A_135 = tpu.memref_slice %arg4[%add3A_105, %dma_wait3A_134] : memref<5120x1024xi32, #tpu.memory_space<hbm>> -> memref<32x1024xi32, #tpu.memory_space<hbm>>
    tpu.wait_dma2 semaphore(%arg15 : memref<!tpu.dma_semaphore, #tpu.memory_space<semaphore_mem>>) src(%arg9 : memref<32x1024xi32, #tpu.memory_space<vmem>>) dst(%dma_wait3A_135 : memref<32x1024xi32, #tpu.memory_space<hbm>>)
    %dma_wait3A_136 = arith.constant 0 : i32
    %dma_wait3A_137 = tpu.memref_slice %arg4[%add3A_116, %dma_wait3A_136] : memref<5120x1024xi32, #tpu.memory_space<hbm>> -> memref<32x1024xi32, #tpu.memory_space<hbm>>
    %dma_wait3A_138 = arith.constant 0 : i32
    %dma_wait3A_139 = tpu.memref_slice %arg4[%add3A_116, %dma_wait3A_138] : memref<5120x1024xi32, #tpu.memory_space<hbm>> -> memref<32x1024xi32, #tpu.memory_space<hbm>>
    tpu.wait_dma2 semaphore(%arg13 : memref<!tpu.dma_semaphore, #tpu.memory_space<semaphore_mem>>) src(%arg7 : memref<32x1024xi32, #tpu.memory_space<vmem>>) dst(%dma_wait3A_139 : memref<32x1024xi32, #tpu.memory_space<hbm>>)
    %dma_wait3A_140 = arith.constant 0 : i32
    %dma_wait3A_141 = tpu.memref_slice %arg4[%add3A_127, %dma_wait3A_140] : memref<5120x1024xi32, #tpu.memory_space<hbm>> -> memref<32x1024xi32, #tpu.memory_space<hbm>>
    %dma_wait3A_142 = arith.constant 0 : i32
    %dma_wait3A_143 = tpu.memref_slice %arg4[%add3A_127, %dma_wait3A_142] : memref<5120x1024xi32, #tpu.memory_space<hbm>> -> memref<32x1024xi32, #tpu.memory_space<hbm>>
    tpu.wait_dma2 semaphore(%arg14 : memref<!tpu.dma_semaphore, #tpu.memory_space<semaphore_mem>>) src(%arg8 : memref<32x1024xi32, #tpu.memory_space<vmem>>) dst(%dma_wait3A_143 : memref<32x1024xi32, #tpu.memory_space<hbm>>)
    return
  }
}

module attributes {stable_mosaic.version = 14 : i64} {
  func.func @_router_body(%arg0: i32, %arg1: memref<256x2048xf32, #tpu.memory_space<vmem>>, %arg2: memref<2048x8xf32, #tpu.memory_space<vmem>>, %arg3: memref<256x2xi32, #tpu.memory_space<vmem>>, %arg4: memref<256x2xf32, #tpu.memory_space<vmem>>, %arg5: memref<256x1024xi32, #tpu.memory_space<vmem>>, %arg6: memref<1x8xf32, #tpu.memory_space<vmem>>) attributes {dimension_semantics = [#tpu.dimension_semantics<arbitrary>], iteration_bounds = array<i64: 8>, scalar_prefetch = 0 : i64, scratch_operands = 1 : i64, tpu.core_type = #tpu.core_type<tc>, window_params = [{transform_indices = @transform_0, window_bounds = array<i64: 256, 2048>}, {pipeline_mode = #tpu.pipeline_mode<synchronous>, transform_indices = @transform_1, window_bounds = array<i64: 2048, 8>}, {transform_indices = @transform_2, window_bounds = array<i64: 256, 2>}, {transform_indices = @transform_3, window_bounds = array<i64: 256, 2>}, {transform_indices = @transform_4, window_bounds = array<i64: 256, 1024>}]} {
    %eq3A = arith.constant 0 : i32
    %eq3A_0 = arith.cmpi eq, %arg0, %eq3A : i32
    %convert_element_type3A = arith.extui %eq3A_0 : i1 to i32
    %cond3A = arith.constant 0 : i32
    %cond3A_1 = arith.cmpi ne, %convert_element_type3A, %cond3A : i32
    scf.if %cond3A_1 {
      %broadcast_in_dim3A_128 = arith.constant 0.000000e+00 : f32
      %broadcast_in_dim3A_129 = vector.broadcast %broadcast_in_dim3A_128 : f32 to vector<1x8xf32>
      %swap3A_130 = arith.constant 0 : index
      %swap3A_131 = arith.constant 0 : index
      %swap3A_132 = vector.load %arg6[%swap3A_130, %swap3A_131] : memref<1x8xf32, #tpu.memory_space<vmem>>, vector<1x8xf32>
      tpu.vector_store %arg6[%swap3A_130, %swap3A_131], %broadcast_in_dim3A_129 {strides = array<i32>} : memref<1x8xf32, #tpu.memory_space<vmem>>, vector<1x8xf32>,
    } else {
    }
    %get3A = arith.constant 0 : index
    %get3A_2 = arith.constant 0 : index
    %get3A_3 = vector.load %arg1[%get3A, %get3A_2] : memref<256x2048xf32, #tpu.memory_space<vmem>>, vector<256x2048xf32>
    %get3A_4 = arith.constant 0 : index
    %get3A_5 = arith.constant 0 : index
    %get3A_6 = vector.load %arg2[%get3A_4, %get3A_5] : memref<2048x8xf32, #tpu.memory_space<vmem>>, vector<2048x8xf32>
    %dot_general3A = arith.constant dense<0.000000e+00> : vector<256x8xf32>
    %dot_general3A_7 = tpu.matmul %get3A_3, %get3A_6, %dot_general3A {dimension_numbers = #tpu.dot_dimension_numbers<[1], [0], [0], [1], [0, 0, 1, 1], [], []>, transpose_lhs_hint = false} : vector<256x2048xf32>, vector<2048x8xf32>, vector<256x8xf32> -> vector<256x8xf32>
    %logistic3A = arith.negf %dot_general3A_7 : vector<256x8xf32>
    %logistic3A_8 = math.exp %logistic3A : vector<256x8xf32>
    %logistic3A_9 = arith.constant 1.000000e+00 : f32
    %logistic3A_10 = vector.broadcast %logistic3A_9 : f32 to vector<256x8xf32>
    %logistic3A_11 = arith.addf %logistic3A_10, %logistic3A_8 : vector<256x8xf32>
    %logistic3A_12 = arith.divf %logistic3A_10, %logistic3A_11 : vector<256x8xf32>
    %iota3A = tpu.iota {dimensions = array<i32: 1>} : vector<256x8xi32>
    %reduce_max3A = arith.constant dense<0xFF800000> : vector<256xf32>
    %reduce_max3A_13 = vector.multi_reduction <maximumf>, %logistic3A_12, %reduce_max3A [1] : vector<256x8xf32> to vector<256xf32>
    %broadcast_in_dim3A = vector.shape_cast %reduce_max3A_13 : vector<256xf32> to vector<256x1xf32>
    %eq3A_14 = vector.broadcast %broadcast_in_dim3A : vector<256x1xf32> to vector<256x8xf32>
    %eq3A_15 = arith.cmpf oeq, %logistic3A_12, %eq3A_14 : vector<256x8xf32>
    %jit3A = arith.constant 8 : i32
    %broadcast_in_dim3A_16 = vector.broadcast %jit3A : i32 to vector<256x8xi32>
    %select_n3A = arith.select %eq3A_15, %iota3A, %broadcast_in_dim3A_16 : vector<256x8xi1>, vector<256x8xi32>
    %reduce_min3A = arith.constant dense<2147483647> : vector<256xi32>
    %reduce_min3A_17 = vector.multi_reduction <minsi>, %select_n3A, %reduce_min3A [1] : vector<256x8xi32> to vector<256xi32>
    %broadcast_in_dim3A_18 = vector.shape_cast %reduce_min3A_17 : vector<256xi32> to vector<256x1xi32>
    %eq3A_19 = vector.broadcast %broadcast_in_dim3A_18 : vector<256x1xi32> to vector<256x8xi32>
    %eq3A_20 = arith.cmpi eq, %iota3A, %eq3A_19 : vector<256x8xi32>
    %jit3A_21 = arith.constant -1.000000e+00 : f32
    %broadcast_in_dim3A_22 = vector.broadcast %jit3A_21 : f32 to vector<256x8xf32>
    %select_n3A_23 = arith.select %eq3A_20, %broadcast_in_dim3A_22, %logistic3A_12 : vector<256x8xi1>, vector<256x8xf32>
    %reduce_max3A_24 = arith.constant dense<0xFF800000> : vector<256xf32>
    %reduce_max3A_25 = vector.multi_reduction <maximumf>, %select_n3A_23, %reduce_max3A_24 [1] : vector<256x8xf32> to vector<256xf32>
    %broadcast_in_dim3A_26 = vector.shape_cast %reduce_max3A_25 : vector<256xf32> to vector<256x1xf32>
    %eq3A_27 = vector.broadcast %broadcast_in_dim3A_26 : vector<256x1xf32> to vector<256x8xf32>
    %eq3A_28 = arith.cmpf oeq, %select_n3A_23, %eq3A_27 : vector<256x8xf32>
    %jit3A_29 = arith.constant 8 : i32
    %broadcast_in_dim3A_30 = vector.broadcast %jit3A_29 : i32 to vector<256x8xi32>
    %select_n3A_31 = arith.select %eq3A_28, %iota3A, %broadcast_in_dim3A_30 : vector<256x8xi1>, vector<256x8xi32>
    %reduce_min3A_32 = arith.constant dense<2147483647> : vector<256xi32>
    %reduce_min3A_33 = vector.multi_reduction <minsi>, %select_n3A_31, %reduce_min3A_32 [1] : vector<256x8xi32> to vector<256xi32>
    %broadcast_in_dim3A_34 = vector.shape_cast %reduce_min3A_33 : vector<256xi32> to vector<256x1xi32>
    %add3A = arith.addf %broadcast_in_dim3A, %broadcast_in_dim3A_26 : vector<256x1xf32>
    %add3A_35 = arith.constant 9.99999968E-21 : f32
    %add3A_36 = vector.broadcast %add3A_35 : f32 to vector<256x1xf32>
    %add3A_37 = arith.addf %add3A, %add3A_36 : vector<256x1xf32>
    %div3A = arith.divf %broadcast_in_dim3A, %add3A_37 : vector<256x1xf32>
    %div3A_38 = arith.divf %broadcast_in_dim3A_26, %add3A_37 : vector<256x1xf32>
    %eq3A_39 = vector.broadcast %broadcast_in_dim3A_18 : vector<256x1xi32> to vector<256x8xi32>
    %eq3A_40 = arith.cmpi eq, %iota3A, %eq3A_39 : vector<256x8xi32>
    %convert_element_type3A_41 = arith.extui %eq3A_40 : vector<256x8xi1> to vector<256x8xi32>
    %convert_element_type3A_42 = arith.sitofp %convert_element_type3A_41 : vector<256x8xi32> to vector<256x8xf32>
    %eq3A_43 = vector.broadcast %broadcast_in_dim3A_34 : vector<256x1xi32> to vector<256x8xi32>
    %eq3A_44 = arith.cmpi eq, %iota3A, %eq3A_43 : vector<256x8xi32>
    %convert_element_type3A_45 = arith.extui %eq3A_44 : vector<256x8xi1> to vector<256x8xi32>
    %convert_element_type3A_46 = arith.sitofp %convert_element_type3A_45 : vector<256x8xi32> to vector<256x8xf32>
    %add3A_47 = arith.addf %convert_element_type3A_42, %convert_element_type3A_46 : vector<256x8xf32>
    %iota3A_48 = tpu.iota {dimensions = array<i32: 0>} : vector<256x256xi32>
    %iota3A_49 = tpu.iota {dimensions = array<i32: 1>} : vector<256x256xi32>
    %lt3A = arith.cmpi slt, %iota3A_49, %iota3A_48 : vector<256x256xi32>
    %convert_element_type3A_50 = arith.extui %lt3A : vector<256x256xi1> to vector<256x256xi32>
    %convert_element_type3A_51 = arith.sitofp %convert_element_type3A_50 : vector<256x256xi32> to vector<256x256xf32>
    %dot_general3A_52 = arith.constant dense<0.000000e+00> : vector<256x8xf32>
    %dot_general3A_53 = tpu.matmul %convert_element_type3A_51, %add3A_47, %dot_general3A_52 {dimension_numbers = #tpu.dot_dimension_numbers<[1], [0], [0], [1], [0, 0, 1, 1], [], []>, transpose_lhs_hint = false} : vector<256x256xf32>, vector<256x8xf32>, vector<256x8xf32> -> vector<256x8xf32>
    %get3A_54 = arith.constant 0 : index
    %get3A_55 = arith.constant 0 : index
    %get3A_56 = vector.load %arg6[%get3A_54, %get3A_55] : memref<1x8xf32, #tpu.memory_space<vmem>>, vector<1x8xf32>
    %add3A_57 = vector.broadcast %get3A_56 : vector<1x8xf32> to vector<256x8xf32>
    %add3A_58 = arith.addf %dot_general3A_53, %add3A_57 : vector<256x8xf32>
    %get3A_59 = arith.constant 0 : index
    %get3A_60 = arith.constant 0 : index
    %get3A_61 = vector.load %arg6[%get3A_59, %get3A_60] : memref<1x8xf32, #tpu.memory_space<vmem>>, vector<1x8xf32>
    %reduce_sum3A = arith.constant dense<0.000000e+00> : vector<8xf32>
    %reduce_sum3A_62 = vector.multi_reduction <add>, %add3A_47, %reduce_sum3A [0] : vector<256x8xf32> to vector<8xf32>
    %broadcast_in_dim3A_63 = vector.shape_cast %reduce_sum3A_62 : vector<8xf32> to vector<1x8xf32>
    %add3A_64 = arith.addf %get3A_61, %broadcast_in_dim3A_63 : vector<1x8xf32>
    %swap3A = arith.constant 0 : index
    %swap3A_65 = arith.constant 0 : index
    %swap3A_66 = vector.load %arg6[%swap3A, %swap3A_65] : memref<1x8xf32, #tpu.memory_space<vmem>>, vector<1x8xf32>
    tpu.vector_store %arg6[%swap3A, %swap3A_65], %add3A_64 {strides = array<i32>} : memref<1x8xf32, #tpu.memory_space<vmem>>, vector<1x8xf32>,
    %gt3A = arith.constant 0.000000e+00 : f32
    %gt3A_67 = vector.broadcast %gt3A : f32 to vector<256x8xf32>
    %gt3A_68 = arith.cmpf ogt, %convert_element_type3A_42, %gt3A_67 : vector<256x8xf32>
    %jit3A_69 = arith.constant 0.000000e+00 : f32
    %broadcast_in_dim3A_70 = vector.broadcast %jit3A_69 : f32 to vector<256x8xf32>
    %select_n3A_71 = arith.select %gt3A_68, %add3A_58, %broadcast_in_dim3A_70 : vector<256x8xi1>, vector<256x8xf32>
    %reduce_sum3A_72 = arith.constant dense<0.000000e+00> : vector<256xf32>
    %reduce_sum3A_73 = vector.multi_reduction <add>, %select_n3A_71, %reduce_sum3A_72 [1] : vector<256x8xf32> to vector<256xf32>
    %broadcast_in_dim3A_74 = vector.shape_cast %reduce_sum3A_73 : vector<256xf32> to vector<256x1xf32>
    %gt3A_75 = arith.constant 0.000000e+00 : f32
    %gt3A_76 = vector.broadcast %gt3A_75 : f32 to vector<256x8xf32>
    %gt3A_77 = arith.cmpf ogt, %convert_element_type3A_46, %gt3A_76 : vector<256x8xf32>
    %jit3A_78 = arith.constant 0.000000e+00 : f32
    %broadcast_in_dim3A_79 = vector.broadcast %jit3A_78 : f32 to vector<256x8xf32>
    %select_n3A_80 = arith.select %gt3A_77, %add3A_58, %broadcast_in_dim3A_79 : vector<256x8xi1>, vector<256x8xf32>
    %reduce_sum3A_81 = arith.constant dense<0.000000e+00> : vector<256xf32>
    %reduce_sum3A_82 = vector.multi_reduction <add>, %select_n3A_80, %reduce_sum3A_81 [1] : vector<256x8xf32> to vector<256xf32>
    %broadcast_in_dim3A_83 = vector.shape_cast %reduce_sum3A_82 : vector<256xf32> to vector<256x1xf32>
    %convert_element_type3A_84 = arith.fptosi %broadcast_in_dim3A_74 : vector<256x1xf32> to vector<256x1xi32>
    %convert_element_type3A_85 = arith.fptosi %broadcast_in_dim3A_83 : vector<256x1xf32> to vector<256x1xi32>
    %lt3A_86 = arith.constant 640 : i32
    %lt3A_87 = vector.broadcast %lt3A_86 : i32 to vector<256x1xi32>
    %lt3A_88 = arith.cmpi slt, %convert_element_type3A_84, %lt3A_87 : vector<256x1xi32>
    %lt3A_89 = arith.constant 640 : i32
    %lt3A_90 = vector.broadcast %lt3A_89 : i32 to vector<256x1xi32>
    %lt3A_91 = arith.cmpi slt, %convert_element_type3A_85, %lt3A_90 : vector<256x1xi32>
    %mul3A = arith.constant 640 : i32
    %mul3A_92 = vector.broadcast %mul3A : i32 to vector<256x1xi32>
    %mul3A_93 = arith.muli %broadcast_in_dim3A_18, %mul3A_92 : vector<256x1xi32>
    %add3A_94 = arith.addi %mul3A_93, %convert_element_type3A_84 : vector<256x1xi32>
    %jit3A_95 = arith.constant 5120 : i32
    %broadcast_in_dim3A_96 = vector.broadcast %jit3A_95 : i32 to vector<256x1xi32>
    %select_n3A_97 = arith.select %lt3A_88, %add3A_94, %broadcast_in_dim3A_96 : vector<256x1xi1>, vector<256x1xi32>
    %mul3A_98 = arith.constant 640 : i32
    %mul3A_99 = vector.broadcast %mul3A_98 : i32 to vector<256x1xi32>
    %mul3A_100 = arith.muli %broadcast_in_dim3A_34, %mul3A_99 : vector<256x1xi32>
    %add3A_101 = arith.addi %mul3A_100, %convert_element_type3A_85 : vector<256x1xi32>
    %jit3A_102 = arith.constant 5120 : i32
    %broadcast_in_dim3A_103 = vector.broadcast %jit3A_102 : i32 to vector<256x1xi32>
    %select_n3A_104 = arith.select %lt3A_91, %add3A_101, %broadcast_in_dim3A_103 : vector<256x1xi1>, vector<256x1xi32>
    %concatenate3A = tpu.concatenate %select_n3A_97, %select_n3A_104 in 1 : vector<256x1xi32>, vector<256x1xi32> -> vector<256x2xi32>
    %swap3A_105 = arith.constant 0 : index
    %swap3A_106 = arith.constant 0 : index
    %swap3A_107 = vector.load %arg3[%swap3A_105, %swap3A_106] : memref<256x2xi32, #tpu.memory_space<vmem>>, vector<256x2xi32>
    tpu.vector_store %arg3[%swap3A_105, %swap3A_106], %concatenate3A {strides = array<i32>} : memref<256x2xi32, #tpu.memory_space<vmem>>, vector<256x2xi32>,
    %jit3A_108 = arith.constant 0.000000e+00 : f32
    %broadcast_in_dim3A_109 = vector.broadcast %jit3A_108 : f32 to vector<256x1xf32>
    %select_n3A_110 = arith.select %lt3A_88, %div3A, %broadcast_in_dim3A_109 : vector<256x1xi1>, vector<256x1xf32>
    %jit3A_111 = arith.constant 0.000000e+00 : f32
    %broadcast_in_dim3A_112 = vector.broadcast %jit3A_111 : f32 to vector<256x1xf32>
    %select_n3A_113 = arith.select %lt3A_91, %div3A_38, %broadcast_in_dim3A_112 : vector<256x1xi1>, vector<256x1xf32>
    %concatenate3A_114 = tpu.concatenate %select_n3A_110, %select_n3A_113 in 1 : vector<256x1xf32>, vector<256x1xf32> -> vector<256x2xf32>
    %swap3A_115 = arith.constant 0 : index
    %swap3A_116 = arith.constant 0 : index
    %swap3A_117 = vector.load %arg4[%swap3A_115, %swap3A_116] : memref<256x2xf32, #tpu.memory_space<vmem>>, vector<256x2xf32>
    tpu.vector_store %arg4[%swap3A_115, %swap3A_116], %concatenate3A_114 {strides = array<i32>} : memref<256x2xf32, #tpu.memory_space<vmem>>, vector<256x2xf32>,
    %convert_element_type3A_118 = arith.truncf %get3A_3 : vector<256x2048xf32> to vector<256x2048xbf16>
    %bitcast_convert_type3A = tpu.bitcast %convert_element_type3A_118 : vector<256x2048xbf16> -> vector<256x2048xi16>
    %slice3A = vector.extract_strided_slice %bitcast_convert_type3A {offsets = [0, 0], sizes = [256, 1024], strides = [1, 1]} : vector<256x2048xi16> to vector<256x1024xi16>
    %convert_element_type3A_119 = arith.extui %slice3A : vector<256x1024xi16> to vector<256x1024xi32>
    %slice3A_120 = vector.extract_strided_slice %bitcast_convert_type3A {offsets = [0, 1024], sizes = [256, 1024], strides = [1, 1]} : vector<256x2048xi16> to vector<256x1024xi16>
    %convert_element_type3A_121 = arith.extui %slice3A_120 : vector<256x1024xi16> to vector<256x1024xi32>
    %shift_left3A = arith.constant 16 : i32
    %shift_left3A_122 = vector.broadcast %shift_left3A : i32 to vector<256x1024xi32>
    %shift_left3A_123 = arith.shli %convert_element_type3A_121, %shift_left3A_122 : vector<256x1024xi32>
    %or3A = arith.ori %convert_element_type3A_119, %shift_left3A_123 : vector<256x1024xi32>
    %bitcast_convert_type3A_124 = tpu.bitcast %or3A : vector<256x1024xi32> -> vector<256x1024xi32>
    %swap3A_125 = arith.constant 0 : index
    %swap3A_126 = arith.constant 0 : index
    %swap3A_127 = vector.load %arg5[%swap3A_125, %swap3A_126] : memref<256x1024xi32, #tpu.memory_space<vmem>>, vector<256x1024xi32>
    tpu.vector_store %arg5[%swap3A_125, %swap3A_126], %bitcast_convert_type3A_124 {strides = array<i32>} : memref<256x1024xi32, #tpu.memory_space<vmem>>, vector<256x1024xi32>,
    return
  }
  func.func @transform_0(%arg0: i32) -> (i32, i32) {
    %c0_i32 = arith.constant 0 : i32
    %c0_i32_0 = arith.constant 0 : i32
    return %arg0, %c0_i32 : i32, i32
  }
  func.func @transform_1(%arg0: i32) -> (i32, i32) {
    %c0_i32 = arith.constant 0 : i32
    %c0_i32_0 = arith.constant 0 : i32
    %c0_i32_1 = arith.constant 0 : i32
    return %c0_i32, %c0_i32_0 : i32, i32
  }
  func.func @transform_2(%arg0: i32) -> (i32, i32) {
    %c0_i32 = arith.constant 0 : i32
    %c0_i32_0 = arith.constant 0 : i32
    return %arg0, %c0_i32 : i32, i32
  }
  func.func @transform_3(%arg0: i32) -> (i32, i32) {
    %c0_i32 = arith.constant 0 : i32
    %c0_i32_0 = arith.constant 0 : i32
    return %arg0, %c0_i32 : i32, i32
  }
  func.func @transform_4(%arg0: i32) -> (i32, i32) {
    %c0_i32 = arith.constant 0 : i32
    %c0_i32_0 = arith.constant 0 : i32
    return %arg0, %c0_i32 : i32, i32
  }
}

module attributes {stable_mosaic.version = 14 : i64} {
  func.func @_ffn1_body(%arg0: i32, %arg1: i32, %arg2: memref<1x640x1024xi32, #tpu.memory_space<vmem>>, %arg3: memref<1x2048x512xf32, #tpu.memory_space<vmem>>, %arg4: memref<1x2048x512xf32, #tpu.memory_space<vmem>>, %arg5: memref<1x640x512xbf16, #tpu.memory_space<vmem>>) attributes {dimension_semantics = [#tpu.dimension_semantics<arbitrary>, #tpu.dimension_semantics<arbitrary>], iteration_bounds = array<i64: 8, 2>, scalar_prefetch = 0 : i64, scratch_operands = 0 : i64, tpu.core_type = #tpu.core_type<tc>, window_params = [{transform_indices = @transform_0, window_bounds = array<i64: 1, 640, 1024>}, {transform_indices = @transform_1, window_bounds = array<i64: 1, 2048, 512>}, {transform_indices = @transform_2, window_bounds = array<i64: 1, 2048, 512>}, {transform_indices = @transform_3, window_bounds = array<i64: 1, 640, 512>}]} {
    %get3A = arith.constant 0 : index
    %get3A_0 = arith.constant 0 : index
    %get3A_1 = arith.constant 0 : index
    %get3A_2 = vector.load %arg2[%get3A, %get3A_0, %get3A_1] : memref<1x640x1024xi32, #tpu.memory_space<vmem>>, vector<1x640x1024xi32>
    %get3A_3 = vector.shape_cast %get3A_2 : vector<1x640x1024xi32> to vector<640x1024xi32>
    %bitcast_convert_type3A = tpu.bitcast %get3A_3 : vector<640x1024xi32> -> vector<640x1024xi32>
    %and3A = arith.constant 65535 : i32
    %and3A_4 = vector.broadcast %and3A : i32 to vector<640x1024xi32>
    %and3A_5 = arith.andi %bitcast_convert_type3A, %and3A_4 : vector<640x1024xi32>
    %convert_element_type3A = arith.trunci %and3A_5 : vector<640x1024xi32> to vector<640x1024xi16>
    %shift_right_logical3A = arith.constant 16 : i32
    %shift_right_logical3A_6 = vector.broadcast %shift_right_logical3A : i32 to vector<640x1024xi32>
    %shift_right_logical3A_7 = arith.shrui %bitcast_convert_type3A, %shift_right_logical3A_6 : vector<640x1024xi32>
    %convert_element_type3A_8 = arith.trunci %shift_right_logical3A_7 : vector<640x1024xi32> to vector<640x1024xi16>
    %bitcast_convert_type3A_9 = tpu.bitcast %convert_element_type3A : vector<640x1024xi16> -> vector<640x1024xbf16>
    %bitcast_convert_type3A_10 = tpu.bitcast %convert_element_type3A_8 : vector<640x1024xi16> -> vector<640x1024xbf16>
    %concatenate3A = tpu.concatenate %bitcast_convert_type3A_9, %bitcast_convert_type3A_10 in 1 : vector<640x1024xbf16>, vector<640x1024xbf16> -> vector<640x2048xbf16>
    %get3A_11 = arith.constant 0 : index
    %get3A_12 = arith.constant 0 : index
    %get3A_13 = arith.constant 0 : index
    %get3A_14 = vector.load %arg3[%get3A_11, %get3A_12, %get3A_13] : memref<1x2048x512xf32, #tpu.memory_space<vmem>>, vector<1x2048x512xf32>
    %get3A_15 = vector.shape_cast %get3A_14 : vector<1x2048x512xf32> to vector<2048x512xf32>
    %convert_element_type3A_16 = arith.truncf %get3A_15 : vector<2048x512xf32> to vector<2048x512xbf16>
    %dot_general3A = arith.constant dense<0.000000e+00> : vector<640x512xf32>
    %dot_general3A_17 = tpu.matmul %concatenate3A, %convert_element_type3A_16, %dot_general3A {dimension_numbers = #tpu.dot_dimension_numbers<[1], [0], [0], [1], [0, 0, 1, 1], [], []>, transpose_lhs_hint = false} : vector<640x2048xbf16>, vector<2048x512xbf16>, vector<640x512xf32> -> vector<640x512xf32>
    %get3A_18 = arith.constant 0 : index
    %get3A_19 = arith.constant 0 : index
    %get3A_20 = arith.constant 0 : index
    %get3A_21 = vector.load %arg4[%get3A_18, %get3A_19, %get3A_20] : memref<1x2048x512xf32, #tpu.memory_space<vmem>>, vector<1x2048x512xf32>
    %get3A_22 = vector.shape_cast %get3A_21 : vector<1x2048x512xf32> to vector<2048x512xf32>
    %convert_element_type3A_23 = arith.truncf %get3A_22 : vector<2048x512xf32> to vector<2048x512xbf16>
    %dot_general3A_24 = arith.constant dense<0.000000e+00> : vector<640x512xf32>
    %dot_general3A_25 = tpu.matmul %concatenate3A, %convert_element_type3A_23, %dot_general3A_24 {dimension_numbers = #tpu.dot_dimension_numbers<[1], [0], [0], [1], [0, 0, 1, 1], [], []>, transpose_lhs_hint = false} : vector<640x2048xbf16>, vector<2048x512xbf16>, vector<640x512xf32> -> vector<640x512xf32>
    %logistic3A = arith.negf %dot_general3A_17 : vector<640x512xf32>
    %logistic3A_26 = math.exp %logistic3A : vector<640x512xf32>
    %logistic3A_27 = arith.constant 1.000000e+00 : f32
    %logistic3A_28 = vector.broadcast %logistic3A_27 : f32 to vector<640x512xf32>
    %logistic3A_29 = arith.addf %logistic3A_28, %logistic3A_26 : vector<640x512xf32>
    %logistic3A_30 = arith.divf %logistic3A_28, %logistic3A_29 : vector<640x512xf32>
    %mul3A = arith.mulf %dot_general3A_17, %logistic3A_30 : vector<640x512xf32>
    %mul3A_31 = arith.mulf %mul3A, %dot_general3A_25 : vector<640x512xf32>
    %convert_element_type3A_32 = arith.truncf %mul3A_31 : vector<640x512xf32> to vector<640x512xbf16>
    %swap3A = arith.constant 0 : index
    %swap3A_33 = arith.constant 0 : index
    %swap3A_34 = arith.constant 0 : index
    %swap3A_35 = vector.load %arg5[%swap3A, %swap3A_33, %swap3A_34] : memref<1x640x512xbf16, #tpu.memory_space<vmem>>, vector<1x640x512xbf16>
    %swap3A_36 = vector.shape_cast %swap3A_35 : vector<1x640x512xbf16> to vector<640x512xbf16>
    %swap3A_37 = vector.shape_cast %convert_element_type3A_32 : vector<640x512xbf16> to vector<1x640x512xbf16>
    tpu.vector_store %arg5[%swap3A, %swap3A_33, %swap3A_34], %swap3A_37 {strides = array<i32>} : memref<1x640x512xbf16, #tpu.memory_space<vmem>>, vector<1x640x512xbf16>,
    return
  }
  func.func @transform_0(%arg0: i32, %arg1: i32) -> (i32, i32, i32) {
    %c0_i32 = arith.constant 0 : i32
    %c0_i32_0 = arith.constant 0 : i32
    %c0_i32_1 = arith.constant 0 : i32
    return %arg0, %c0_i32, %c0_i32_0 : i32, i32, i32
  }
  func.func @transform_1(%arg0: i32, %arg1: i32) -> (i32, i32, i32) {
    %c0_i32 = arith.constant 0 : i32
    %c0_i32_0 = arith.constant 0 : i32
    return %arg0, %c0_i32, %arg1 : i32, i32, i32
  }
  func.func @transform_2(%arg0: i32, %arg1: i32) -> (i32, i32, i32) {
    %c0_i32 = arith.constant 0 : i32
    %c0_i32_0 = arith.constant 0 : i32
    return %arg0, %c0_i32, %arg1 : i32, i32, i32
  }
  func.func @transform_3(%arg0: i32, %arg1: i32) -> (i32, i32, i32) {
    %c0_i32 = arith.constant 0 : i32
    %c0_i32_0 = arith.constant 0 : i32
    return %arg0, %c0_i32, %arg1 : i32, i32, i32
  }
}

module attributes {stable_mosaic.version = 14 : i64} {
  func.func @_ffn2_body(%arg0: i32, %arg1: i32, %arg2: memref<1x640x1024xbf16, #tpu.memory_space<vmem>>, %arg3: memref<1x1024x512xf32, #tpu.memory_space<vmem>>, %arg4: memref<1x640x256xi32, #tpu.memory_space<vmem>>) attributes {dimension_semantics = [#tpu.dimension_semantics<arbitrary>, #tpu.dimension_semantics<arbitrary>], iteration_bounds = array<i64: 8, 4>, scalar_prefetch = 0 : i64, scratch_operands = 0 : i64, tpu.core_type = #tpu.core_type<tc>, window_params = [{transform_indices = @transform_0, window_bounds = array<i64: 1, 640, 1024>}, {transform_indices = @transform_1, window_bounds = array<i64: 1, 1024, 512>}, {transform_indices = @transform_2, window_bounds = array<i64: 1, 640, 256>}]} {
    %get3A = arith.constant 0 : index
    %get3A_0 = arith.constant 0 : index
    %get3A_1 = arith.constant 0 : index
    %get3A_2 = vector.load %arg2[%get3A, %get3A_0, %get3A_1] : memref<1x640x1024xbf16, #tpu.memory_space<vmem>>, vector<1x640x1024xbf16>
    %get3A_3 = vector.shape_cast %get3A_2 : vector<1x640x1024xbf16> to vector<640x1024xbf16>
    %get3A_4 = arith.constant 0 : index
    %get3A_5 = arith.constant 0 : index
    %get3A_6 = arith.constant 0 : index
    %get3A_7 = vector.load %arg3[%get3A_4, %get3A_5, %get3A_6] : memref<1x1024x512xf32, #tpu.memory_space<vmem>>, vector<1x1024x512xf32>
    %get3A_8 = vector.shape_cast %get3A_7 : vector<1x1024x512xf32> to vector<1024x512xf32>
    %convert_element_type3A = arith.truncf %get3A_8 : vector<1024x512xf32> to vector<1024x512xbf16>
    %dot_general3A = arith.constant dense<0.000000e+00> : vector<640x512xf32>
    %dot_general3A_9 = tpu.matmul %get3A_3, %convert_element_type3A, %dot_general3A {dimension_numbers = #tpu.dot_dimension_numbers<[1], [0], [0], [1], [0, 0, 1, 1], [], []>, transpose_lhs_hint = false} : vector<640x1024xbf16>, vector<1024x512xbf16>, vector<640x512xf32> -> vector<640x512xf32>
    %convert_element_type3A_10 = arith.truncf %dot_general3A_9 : vector<640x512xf32> to vector<640x512xbf16>
    %bitcast_convert_type3A = tpu.bitcast %convert_element_type3A_10 : vector<640x512xbf16> -> vector<640x512xi16>
    %slice3A = vector.extract_strided_slice %bitcast_convert_type3A {offsets = [0, 0], sizes = [640, 256], strides = [1, 1]} : vector<640x512xi16> to vector<640x256xi16>
    %convert_element_type3A_11 = arith.extui %slice3A : vector<640x256xi16> to vector<640x256xi32>
    %slice3A_12 = vector.extract_strided_slice %bitcast_convert_type3A {offsets = [0, 256], sizes = [640, 256], strides = [1, 1]} : vector<640x512xi16> to vector<640x256xi16>
    %convert_element_type3A_13 = arith.extui %slice3A_12 : vector<640x256xi16> to vector<640x256xi32>
    %shift_left3A = arith.constant 16 : i32
    %shift_left3A_14 = vector.broadcast %shift_left3A : i32 to vector<640x256xi32>
    %shift_left3A_15 = arith.shli %convert_element_type3A_13, %shift_left3A_14 : vector<640x256xi32>
    %or3A = arith.ori %convert_element_type3A_11, %shift_left3A_15 : vector<640x256xi32>
    %bitcast_convert_type3A_16 = tpu.bitcast %or3A : vector<640x256xi32> -> vector<640x256xi32>
    %swap3A = arith.constant 0 : index
    %swap3A_17 = arith.constant 0 : index
    %swap3A_18 = arith.constant 0 : index
    %swap3A_19 = vector.load %arg4[%swap3A, %swap3A_17, %swap3A_18] : memref<1x640x256xi32, #tpu.memory_space<vmem>>, vector<1x640x256xi32>
    %swap3A_20 = vector.shape_cast %swap3A_19 : vector<1x640x256xi32> to vector<640x256xi32>
    %swap3A_21 = vector.shape_cast %bitcast_convert_type3A_16 : vector<640x256xi32> to vector<1x640x256xi32>
    tpu.vector_store %arg4[%swap3A, %swap3A_17, %swap3A_18], %swap3A_21 {strides = array<i32>} : memref<1x640x256xi32, #tpu.memory_space<vmem>>, vector<1x640x256xi32>,
    return
  }
  func.func @transform_0(%arg0: i32, %arg1: i32) -> (i32, i32, i32) {
    %c0_i32 = arith.constant 0 : i32
    %c0_i32_0 = arith.constant 0 : i32
    %c0_i32_1 = arith.constant 0 : i32
    return %arg0, %c0_i32, %c0_i32_0 : i32, i32, i32
  }
  func.func @transform_1(%arg0: i32, %arg1: i32) -> (i32, i32, i32) {
    %c0_i32 = arith.constant 0 : i32
    %c0_i32_0 = arith.constant 0 : i32
    return %arg0, %c0_i32, %arg1 : i32, i32, i32
  }
  func.func @transform_2(%arg0: i32, %arg1: i32) -> (i32, i32, i32) {
    %c0_i32 = arith.constant 0 : i32
    %c0_i32_0 = arith.constant 0 : i32
    return %arg0, %c0_i32, %arg1 : i32, i32, i32
  }
}

module attributes {stable_mosaic.version = 14 : i64} {
  func.func @_shared1_body(%arg0: i32, %arg1: memref<256x2048xf32, #tpu.memory_space<vmem>>, %arg2: memref<2048x1024xf32, #tpu.memory_space<vmem>>, %arg3: memref<2048x1024xf32, #tpu.memory_space<vmem>>, %arg4: memref<256x1024xbf16, #tpu.memory_space<vmem>>) attributes {dimension_semantics = [#tpu.dimension_semantics<arbitrary>], iteration_bounds = array<i64: 8>, scalar_prefetch = 0 : i64, scratch_operands = 0 : i64, tpu.core_type = #tpu.core_type<tc>, window_params = [{transform_indices = @transform_0, window_bounds = array<i64: 256, 2048>}, {pipeline_mode = #tpu.pipeline_mode<synchronous>, transform_indices = @transform_1, window_bounds = array<i64: 2048, 1024>}, {pipeline_mode = #tpu.pipeline_mode<synchronous>, transform_indices = @transform_2, window_bounds = array<i64: 2048, 1024>}, {transform_indices = @transform_3, window_bounds = array<i64: 256, 1024>}]} {
    %get3A = arith.constant 0 : index
    %get3A_0 = arith.constant 0 : index
    %get3A_1 = vector.load %arg1[%get3A, %get3A_0] : memref<256x2048xf32, #tpu.memory_space<vmem>>, vector<256x2048xf32>
    %convert_element_type3A = arith.truncf %get3A_1 : vector<256x2048xf32> to vector<256x2048xbf16>
    %get3A_2 = arith.constant 0 : index
    %get3A_3 = arith.constant 0 : index
    %get3A_4 = vector.load %arg2[%get3A_2, %get3A_3] : memref<2048x1024xf32, #tpu.memory_space<vmem>>, vector<2048x1024xf32>
    %convert_element_type3A_5 = arith.truncf %get3A_4 : vector<2048x1024xf32> to vector<2048x1024xbf16>
    %dot_general3A = arith.constant dense<0.000000e+00> : vector<256x1024xf32>
    %dot_general3A_6 = tpu.matmul %convert_element_type3A, %convert_element_type3A_5, %dot_general3A {dimension_numbers = #tpu.dot_dimension_numbers<[1], [0], [0], [1], [0, 0, 1, 1], [], []>, transpose_lhs_hint = false} : vector<256x2048xbf16>, vector<2048x1024xbf16>, vector<256x1024xf32> -> vector<256x1024xf32>
    %get3A_7 = arith.constant 0 : index
    %get3A_8 = arith.constant 0 : index
    %get3A_9 = vector.load %arg3[%get3A_7, %get3A_8] : memref<2048x1024xf32, #tpu.memory_space<vmem>>, vector<2048x1024xf32>
    %convert_element_type3A_10 = arith.truncf %get3A_9 : vector<2048x1024xf32> to vector<2048x1024xbf16>
    %dot_general3A_11 = arith.constant dense<0.000000e+00> : vector<256x1024xf32>
    %dot_general3A_12 = tpu.matmul %convert_element_type3A, %convert_element_type3A_10, %dot_general3A_11 {dimension_numbers = #tpu.dot_dimension_numbers<[1], [0], [0], [1], [0, 0, 1, 1], [], []>, transpose_lhs_hint = false} : vector<256x2048xbf16>, vector<2048x1024xbf16>, vector<256x1024xf32> -> vector<256x1024xf32>
    %logistic3A = arith.negf %dot_general3A_6 : vector<256x1024xf32>
    %logistic3A_13 = math.exp %logistic3A : vector<256x1024xf32>
    %logistic3A_14 = arith.constant 1.000000e+00 : f32
    %logistic3A_15 = vector.broadcast %logistic3A_14 : f32 to vector<256x1024xf32>
    %logistic3A_16 = arith.addf %logistic3A_15, %logistic3A_13 : vector<256x1024xf32>
    %logistic3A_17 = arith.divf %logistic3A_15, %logistic3A_16 : vector<256x1024xf32>
    %mul3A = arith.mulf %dot_general3A_6, %logistic3A_17 : vector<256x1024xf32>
    %mul3A_18 = arith.mulf %mul3A, %dot_general3A_12 : vector<256x1024xf32>
    %convert_element_type3A_19 = arith.truncf %mul3A_18 : vector<256x1024xf32> to vector<256x1024xbf16>
    %swap3A = arith.constant 0 : index
    %swap3A_20 = arith.constant 0 : index
    %swap3A_21 = vector.load %arg4[%swap3A, %swap3A_20] : memref<256x1024xbf16, #tpu.memory_space<vmem>>, vector<256x1024xbf16>
    tpu.vector_store %arg4[%swap3A, %swap3A_20], %convert_element_type3A_19 {strides = array<i32>} : memref<256x1024xbf16, #tpu.memory_space<vmem>>, vector<256x1024xbf16>,
    return
  }
  func.func @transform_0(%arg0: i32) -> (i32, i32) {
    %c0_i32 = arith.constant 0 : i32
    %c0_i32_0 = arith.constant 0 : i32
    return %arg0, %c0_i32 : i32, i32
  }
  func.func @transform_1(%arg0: i32) -> (i32, i32) {
    %c0_i32 = arith.constant 0 : i32
    %c0_i32_0 = arith.constant 0 : i32
    %c0_i32_1 = arith.constant 0 : i32
    return %c0_i32, %c0_i32_0 : i32, i32
  }
  func.func @transform_2(%arg0: i32) -> (i32, i32) {
    %c0_i32 = arith.constant 0 : i32
    %c0_i32_0 = arith.constant 0 : i32
    %c0_i32_1 = arith.constant 0 : i32
    return %c0_i32, %c0_i32_0 : i32, i32
  }
  func.func @transform_3(%arg0: i32) -> (i32, i32) {
    %c0_i32 = arith.constant 0 : i32
    %c0_i32_0 = arith.constant 0 : i32
    return %arg0, %c0_i32 : i32, i32
  }
}

module attributes {stable_mosaic.version = 14 : i64} {
  func.func @_final_body(%arg0: i32, %arg1: memref<256x1024xbf16, #tpu.memory_space<vmem>>, %arg2: memref<1024x2048xf32, #tpu.memory_space<vmem>>, %arg3: memref<256x1024xi32, #tpu.memory_space<vmem>>, %arg4: memref<256x1024xi32, #tpu.memory_space<vmem>>, %arg5: memref<256x2xf32, #tpu.memory_space<vmem>>, %arg6: memref<256x2048xf32, #tpu.memory_space<vmem>>) attributes {dimension_semantics = [#tpu.dimension_semantics<arbitrary>], iteration_bounds = array<i64: 8>, scalar_prefetch = 0 : i64, scratch_operands = 0 : i64, tpu.core_type = #tpu.core_type<tc>, window_params = [{transform_indices = @transform_0, window_bounds = array<i64: 256, 1024>}, {pipeline_mode = #tpu.pipeline_mode<synchronous>, transform_indices = @transform_1, window_bounds = array<i64: 1024, 2048>}, {transform_indices = @transform_2, window_bounds = array<i64: 256, 1024>}, {transform_indices = @transform_3, window_bounds = array<i64: 256, 1024>}, {transform_indices = @transform_4, window_bounds = array<i64: 256, 2>}, {transform_indices = @transform_5, window_bounds = array<i64: 256, 2048>}]} {
    %get3A = arith.constant 0 : index
    %get3A_0 = arith.constant 0 : index
    %get3A_1 = vector.load %arg1[%get3A, %get3A_0] : memref<256x1024xbf16, #tpu.memory_space<vmem>>, vector<256x1024xbf16>
    %get3A_2 = arith.constant 0 : index
    %get3A_3 = arith.constant 0 : index
    %get3A_4 = vector.load %arg2[%get3A_2, %get3A_3] : memref<1024x2048xf32, #tpu.memory_space<vmem>>, vector<1024x2048xf32>
    %convert_element_type3A = arith.truncf %get3A_4 : vector<1024x2048xf32> to vector<1024x2048xbf16>
    %dot_general3A = arith.constant dense<0.000000e+00> : vector<256x2048xf32>
    %dot_general3A_5 = tpu.matmul %get3A_1, %convert_element_type3A, %dot_general3A {dimension_numbers = #tpu.dot_dimension_numbers<[1], [0], [0], [1], [0, 0, 1, 1], [], []>, transpose_lhs_hint = false} : vector<256x1024xbf16>, vector<1024x2048xbf16>, vector<256x2048xf32> -> vector<256x2048xf32>
    %get3A_6 = arith.constant 0 : index
    %get3A_7 = arith.constant 0 : index
    %get3A_8 = vector.load %arg5[%get3A_6, %get3A_7] : memref<256x2xf32, #tpu.memory_space<vmem>>, vector<256x1xf32>
    %get3A_9 = arith.constant 0 : index
    %get3A_10 = arith.constant 1 : index
    %get3A_11 = vector.load %arg5[%get3A_9, %get3A_10] : memref<256x2xf32, #tpu.memory_space<vmem>>, vector<256x1xf32>
    %get3A_12 = arith.constant 0 : index
    %get3A_13 = arith.constant 0 : index
    %get3A_14 = vector.load %arg3[%get3A_12, %get3A_13] : memref<256x1024xi32, #tpu.memory_space<vmem>>, vector<256x1024xi32>
    %slice3A = vector.extract_strided_slice %get3A_14 {offsets = [0, 0], sizes = [256, 256], strides = [1, 1]} : vector<256x1024xi32> to vector<256x256xi32>
    %bitcast_convert_type3A = tpu.bitcast %slice3A : vector<256x256xi32> -> vector<256x256xi32>
    %and3A = arith.constant 65535 : i32
    %and3A_15 = vector.broadcast %and3A : i32 to vector<256x256xi32>
    %and3A_16 = arith.andi %bitcast_convert_type3A, %and3A_15 : vector<256x256xi32>
    %convert_element_type3A_17 = arith.trunci %and3A_16 : vector<256x256xi32> to vector<256x256xi16>
    %shift_right_logical3A = arith.constant 16 : i32
    %shift_right_logical3A_18 = vector.broadcast %shift_right_logical3A : i32 to vector<256x256xi32>
    %shift_right_logical3A_19 = arith.shrui %bitcast_convert_type3A, %shift_right_logical3A_18 : vector<256x256xi32>
    %convert_element_type3A_20 = arith.trunci %shift_right_logical3A_19 : vector<256x256xi32> to vector<256x256xi16>
    %bitcast_convert_type3A_21 = tpu.bitcast %convert_element_type3A_17 : vector<256x256xi16> -> vector<256x256xbf16>
    %bitcast_convert_type3A_22 = tpu.bitcast %convert_element_type3A_20 : vector<256x256xi16> -> vector<256x256xbf16>
    %concatenate3A = tpu.concatenate %bitcast_convert_type3A_21, %bitcast_convert_type3A_22 in 1 : vector<256x256xbf16>, vector<256x256xbf16> -> vector<256x512xbf16>
    %slice3A_23 = vector.extract_strided_slice %get3A_14 {offsets = [0, 256], sizes = [256, 256], strides = [1, 1]} : vector<256x1024xi32> to vector<256x256xi32>
    %bitcast_convert_type3A_24 = tpu.bitcast %slice3A_23 : vector<256x256xi32> -> vector<256x256xi32>
    %and3A_25 = arith.constant 65535 : i32
    %and3A_26 = vector.broadcast %and3A_25 : i32 to vector<256x256xi32>
    %and3A_27 = arith.andi %bitcast_convert_type3A_24, %and3A_26 : vector<256x256xi32>
    %convert_element_type3A_28 = arith.trunci %and3A_27 : vector<256x256xi32> to vector<256x256xi16>
    %shift_right_logical3A_29 = arith.constant 16 : i32
    %shift_right_logical3A_30 = vector.broadcast %shift_right_logical3A_29 : i32 to vector<256x256xi32>
    %shift_right_logical3A_31 = arith.shrui %bitcast_convert_type3A_24, %shift_right_logical3A_30 : vector<256x256xi32>
    %convert_element_type3A_32 = arith.trunci %shift_right_logical3A_31 : vector<256x256xi32> to vector<256x256xi16>
    %bitcast_convert_type3A_33 = tpu.bitcast %convert_element_type3A_28 : vector<256x256xi16> -> vector<256x256xbf16>
    %bitcast_convert_type3A_34 = tpu.bitcast %convert_element_type3A_32 : vector<256x256xi16> -> vector<256x256xbf16>
    %concatenate3A_35 = tpu.concatenate %bitcast_convert_type3A_33, %bitcast_convert_type3A_34 in 1 : vector<256x256xbf16>, vector<256x256xbf16> -> vector<256x512xbf16>
    %slice3A_36 = vector.extract_strided_slice %get3A_14 {offsets = [0, 512], sizes = [256, 256], strides = [1, 1]} : vector<256x1024xi32> to vector<256x256xi32>
    %bitcast_convert_type3A_37 = tpu.bitcast %slice3A_36 : vector<256x256xi32> -> vector<256x256xi32>
    %and3A_38 = arith.constant 65535 : i32
    %and3A_39 = vector.broadcast %and3A_38 : i32 to vector<256x256xi32>
    %and3A_40 = arith.andi %bitcast_convert_type3A_37, %and3A_39 : vector<256x256xi32>
    %convert_element_type3A_41 = arith.trunci %and3A_40 : vector<256x256xi32> to vector<256x256xi16>
    %shift_right_logical3A_42 = arith.constant 16 : i32
    %shift_right_logical3A_43 = vector.broadcast %shift_right_logical3A_42 : i32 to vector<256x256xi32>
    %shift_right_logical3A_44 = arith.shrui %bitcast_convert_type3A_37, %shift_right_logical3A_43 : vector<256x256xi32>
    %convert_element_type3A_45 = arith.trunci %shift_right_logical3A_44 : vector<256x256xi32> to vector<256x256xi16>
    %bitcast_convert_type3A_46 = tpu.bitcast %convert_element_type3A_41 : vector<256x256xi16> -> vector<256x256xbf16>
    %bitcast_convert_type3A_47 = tpu.bitcast %convert_element_type3A_45 : vector<256x256xi16> -> vector<256x256xbf16>
    %concatenate3A_48 = tpu.concatenate %bitcast_convert_type3A_46, %bitcast_convert_type3A_47 in 1 : vector<256x256xbf16>, vector<256x256xbf16> -> vector<256x512xbf16>
    %slice3A_49 = vector.extract_strided_slice %get3A_14 {offsets = [0, 768], sizes = [256, 256], strides = [1, 1]} : vector<256x1024xi32> to vector<256x256xi32>
    %bitcast_convert_type3A_50 = tpu.bitcast %slice3A_49 : vector<256x256xi32> -> vector<256x256xi32>
    %and3A_51 = arith.constant 65535 : i32
    %and3A_52 = vector.broadcast %and3A_51 : i32 to vector<256x256xi32>
    %and3A_53 = arith.andi %bitcast_convert_type3A_50, %and3A_52 : vector<256x256xi32>
    %convert_element_type3A_54 = arith.trunci %and3A_53 : vector<256x256xi32> to vector<256x256xi16>
    %shift_right_logical3A_55 = arith.constant 16 : i32
    %shift_right_logical3A_56 = vector.broadcast %shift_right_logical3A_55 : i32 to vector<256x256xi32>
    %shift_right_logical3A_57 = arith.shrui %bitcast_convert_type3A_50, %shift_right_logical3A_56 : vector<256x256xi32>
    %convert_element_type3A_58 = arith.trunci %shift_right_logical3A_57 : vector<256x256xi32> to vector<256x256xi16>
    %bitcast_convert_type3A_59 = tpu.bitcast %convert_element_type3A_54 : vector<256x256xi16> -> vector<256x256xbf16>
    %bitcast_convert_type3A_60 = tpu.bitcast %convert_element_type3A_58 : vector<256x256xi16> -> vector<256x256xbf16>
    %concatenate3A_61 = tpu.concatenate %bitcast_convert_type3A_59, %bitcast_convert_type3A_60 in 1 : vector<256x256xbf16>, vector<256x256xbf16> -> vector<256x512xbf16>
    %concatenate3A_62 = tpu.concatenate %concatenate3A, %concatenate3A_35, %concatenate3A_48, %concatenate3A_61 in 1 : vector<256x512xbf16>, vector<256x512xbf16>, vector<256x512xbf16>, vector<256x512xbf16> -> vector<256x2048xbf16>
    %convert_element_type3A_63 = arith.extf %concatenate3A_62 : vector<256x2048xbf16> to vector<256x2048xf32>
    %mul3A = vector.broadcast %get3A_8 : vector<256x1xf32> to vector<256x2048xf32>
    %mul3A_64 = arith.mulf %mul3A, %convert_element_type3A_63 : vector<256x2048xf32>
    %add3A = arith.addf %dot_general3A_5, %mul3A_64 : vector<256x2048xf32>
    %get3A_65 = arith.constant 0 : index
    %get3A_66 = arith.constant 0 : index
    %get3A_67 = vector.load %arg4[%get3A_65, %get3A_66] : memref<256x1024xi32, #tpu.memory_space<vmem>>, vector<256x1024xi32>
    %slice3A_68 = vector.extract_strided_slice %get3A_67 {offsets = [0, 0], sizes = [256, 256], strides = [1, 1]} : vector<256x1024xi32> to vector<256x256xi32>
    %bitcast_convert_type3A_69 = tpu.bitcast %slice3A_68 : vector<256x256xi32> -> vector<256x256xi32>
    %and3A_70 = arith.constant 65535 : i32
    %and3A_71 = vector.broadcast %and3A_70 : i32 to vector<256x256xi32>
    %and3A_72 = arith.andi %bitcast_convert_type3A_69, %and3A_71 : vector<256x256xi32>
    %convert_element_type3A_73 = arith.trunci %and3A_72 : vector<256x256xi32> to vector<256x256xi16>
    %shift_right_logical3A_74 = arith.constant 16 : i32
    %shift_right_logical3A_75 = vector.broadcast %shift_right_logical3A_74 : i32 to vector<256x256xi32>
    %shift_right_logical3A_76 = arith.shrui %bitcast_convert_type3A_69, %shift_right_logical3A_75 : vector<256x256xi32>
    %convert_element_type3A_77 = arith.trunci %shift_right_logical3A_76 : vector<256x256xi32> to vector<256x256xi16>
    %bitcast_convert_type3A_78 = tpu.bitcast %convert_element_type3A_73 : vector<256x256xi16> -> vector<256x256xbf16>
    %bitcast_convert_type3A_79 = tpu.bitcast %convert_element_type3A_77 : vector<256x256xi16> -> vector<256x256xbf16>
    %concatenate3A_80 = tpu.concatenate %bitcast_convert_type3A_78, %bitcast_convert_type3A_79 in 1 : vector<256x256xbf16>, vector<256x256xbf16> -> vector<256x512xbf16>
    %slice3A_81 = vector.extract_strided_slice %get3A_67 {offsets = [0, 256], sizes = [256, 256], strides = [1, 1]} : vector<256x1024xi32> to vector<256x256xi32>
    %bitcast_convert_type3A_82 = tpu.bitcast %slice3A_81 : vector<256x256xi32> -> vector<256x256xi32>
    %and3A_83 = arith.constant 65535 : i32
    %and3A_84 = vector.broadcast %and3A_83 : i32 to vector<256x256xi32>
    %and3A_85 = arith.andi %bitcast_convert_type3A_82, %and3A_84 : vector<256x256xi32>
    %convert_element_type3A_86 = arith.trunci %and3A_85 : vector<256x256xi32> to vector<256x256xi16>
    %shift_right_logical3A_87 = arith.constant 16 : i32
    %shift_right_logical3A_88 = vector.broadcast %shift_right_logical3A_87 : i32 to vector<256x256xi32>
    %shift_right_logical3A_89 = arith.shrui %bitcast_convert_type3A_82, %shift_right_logical3A_88 : vector<256x256xi32>
    %convert_element_type3A_90 = arith.trunci %shift_right_logical3A_89 : vector<256x256xi32> to vector<256x256xi16>
    %bitcast_convert_type3A_91 = tpu.bitcast %convert_element_type3A_86 : vector<256x256xi16> -> vector<256x256xbf16>
    %bitcast_convert_type3A_92 = tpu.bitcast %convert_element_type3A_90 : vector<256x256xi16> -> vector<256x256xbf16>
    %concatenate3A_93 = tpu.concatenate %bitcast_convert_type3A_91, %bitcast_convert_type3A_92 in 1 : vector<256x256xbf16>, vector<256x256xbf16> -> vector<256x512xbf16>
    %slice3A_94 = vector.extract_strided_slice %get3A_67 {offsets = [0, 512], sizes = [256, 256], strides = [1, 1]} : vector<256x1024xi32> to vector<256x256xi32>
    %bitcast_convert_type3A_95 = tpu.bitcast %slice3A_94 : vector<256x256xi32> -> vector<256x256xi32>
    %and3A_96 = arith.constant 65535 : i32
    %and3A_97 = vector.broadcast %and3A_96 : i32 to vector<256x256xi32>
    %and3A_98 = arith.andi %bitcast_convert_type3A_95, %and3A_97 : vector<256x256xi32>
    %convert_element_type3A_99 = arith.trunci %and3A_98 : vector<256x256xi32> to vector<256x256xi16>
    %shift_right_logical3A_100 = arith.constant 16 : i32
    %shift_right_logical3A_101 = vector.broadcast %shift_right_logical3A_100 : i32 to vector<256x256xi32>
    %shift_right_logical3A_102 = arith.shrui %bitcast_convert_type3A_95, %shift_right_logical3A_101 : vector<256x256xi32>
    %convert_element_type3A_103 = arith.trunci %shift_right_logical3A_102 : vector<256x256xi32> to vector<256x256xi16>
    %bitcast_convert_type3A_104 = tpu.bitcast %convert_element_type3A_99 : vector<256x256xi16> -> vector<256x256xbf16>
    %bitcast_convert_type3A_105 = tpu.bitcast %convert_element_type3A_103 : vector<256x256xi16> -> vector<256x256xbf16>
    %concatenate3A_106 = tpu.concatenate %bitcast_convert_type3A_104, %bitcast_convert_type3A_105 in 1 : vector<256x256xbf16>, vector<256x256xbf16> -> vector<256x512xbf16>
    %slice3A_107 = vector.extract_strided_slice %get3A_67 {offsets = [0, 768], sizes = [256, 256], strides = [1, 1]} : vector<256x1024xi32> to vector<256x256xi32>
    %bitcast_convert_type3A_108 = tpu.bitcast %slice3A_107 : vector<256x256xi32> -> vector<256x256xi32>
    %and3A_109 = arith.constant 65535 : i32
    %and3A_110 = vector.broadcast %and3A_109 : i32 to vector<256x256xi32>
    %and3A_111 = arith.andi %bitcast_convert_type3A_108, %and3A_110 : vector<256x256xi32>
    %convert_element_type3A_112 = arith.trunci %and3A_111 : vector<256x256xi32> to vector<256x256xi16>
    %shift_right_logical3A_113 = arith.constant 16 : i32
    %shift_right_logical3A_114 = vector.broadcast %shift_right_logical3A_113 : i32 to vector<256x256xi32>
    %shift_right_logical3A_115 = arith.shrui %bitcast_convert_type3A_108, %shift_right_logical3A_114 : vector<256x256xi32>
    %convert_element_type3A_116 = arith.trunci %shift_right_logical3A_115 : vector<256x256xi32> to vector<256x256xi16>
    %bitcast_convert_type3A_117 = tpu.bitcast %convert_element_type3A_112 : vector<256x256xi16> -> vector<256x256xbf16>
    %bitcast_convert_type3A_118 = tpu.bitcast %convert_element_type3A_116 : vector<256x256xi16> -> vector<256x256xbf16>
    %concatenate3A_119 = tpu.concatenate %bitcast_convert_type3A_117, %bitcast_convert_type3A_118 in 1 : vector<256x256xbf16>, vector<256x256xbf16> -> vector<256x512xbf16>
    %concatenate3A_120 = tpu.concatenate %concatenate3A_80, %concatenate3A_93, %concatenate3A_106, %concatenate3A_119 in 1 : vector<256x512xbf16>, vector<256x512xbf16>, vector<256x512xbf16>, vector<256x512xbf16> -> vector<256x2048xbf16>
    %convert_element_type3A_121 = arith.extf %concatenate3A_120 : vector<256x2048xbf16> to vector<256x2048xf32>
    %mul3A_122 = vector.broadcast %get3A_11 : vector<256x1xf32> to vector<256x2048xf32>
    %mul3A_123 = arith.mulf %mul3A_122, %convert_element_type3A_121 : vector<256x2048xf32>
    %add3A_124 = arith.addf %add3A, %mul3A_123 : vector<256x2048xf32>
    %swap3A = arith.constant 0 : index
    %swap3A_125 = arith.constant 0 : index
    %swap3A_126 = vector.load %arg6[%swap3A, %swap3A_125] : memref<256x2048xf32, #tpu.memory_space<vmem>>, vector<256x2048xf32>
    tpu.vector_store %arg6[%swap3A, %swap3A_125], %add3A_124 {strides = array<i32>} : memref<256x2048xf32, #tpu.memory_space<vmem>>, vector<256x2048xf32>,
    return
  }
  func.func @transform_0(%arg0: i32) -> (i32, i32) {
    %c0_i32 = arith.constant 0 : i32
    %c0_i32_0 = arith.constant 0 : i32
    return %arg0, %c0_i32 : i32, i32
  }
  func.func @transform_1(%arg0: i32) -> (i32, i32) {
    %c0_i32 = arith.constant 0 : i32
    %c0_i32_0 = arith.constant 0 : i32
    %c0_i32_1 = arith.constant 0 : i32
    return %c0_i32, %c0_i32_0 : i32, i32
  }
  func.func @transform_2(%arg0: i32) -> (i32, i32) {
    %c0_i32 = arith.constant 0 : i32
    %c0_i32_0 = arith.constant 0 : i32
    return %arg0, %c0_i32 : i32, i32
  }
  func.func @transform_3(%arg0: i32) -> (i32, i32) {
    %c0_i32 = arith.constant 0 : i32
    %c0_i32_0 = arith.constant 0 : i32
    return %arg0, %c0_i32 : i32, i32
  }
  func.func @transform_4(%arg0: i32) -> (i32, i32) {
    %c0_i32 = arith.constant 0 : i32
    %c0_i32_0 = arith.constant 0 : i32
    return %arg0, %c0_i32 : i32, i32
  }
  func.func @transform_5(%arg0: i32) -> (i32, i32) {
    %c0_i32 = arith.constant 0 : i32
    %c0_i32_0 = arith.constant 0 : i32
    return %arg0, %c0_i32 : i32, i32
  }
}

</mosaic_0001>

<sc_bundles>
// kernel: kernel.12.cloned.1.call-start
scs
__scs_entry_jumppad:
0x0: {  	(pc) =	sbr.rel $0x88, $3  }
0x1: {  	(tag) =	ssettag $0x0;
	lr =	simm.s32 $0x1  }
0x2: {  	[smem:$0x3F99] =	sst lr;
	_ =	strace $0xD0000000  }
0x3: {  	_ = 	snop  }
0x4: {  	_ = 	snop  }
0x5: {  	_ = 	snop  }
0x6: {  	_ = 	snop  }
0x7: {  	_ = 	snop  }
__scs_overlays_trampoline_lowered:
0x8: {  	[smem:$0x3FA8] =	sst s0  }
0x9: {  	[smem:$0x3FA9] =	sst s1  }
0xa: {  	[smem:$0x3FAA] =	sst s2  }
0xb: {  	[smem:$0x3FAB] =	sst s3  }
0xc: {  	[smem:$0x3FAC] =	sst s4  }
0xd: {  	[smem:$0x3FAD] =	sst s5  }
0xe: {  	[smem:$0x3FAE] =	sst s6  }
0xf: {  	[smem:$0x3FAF] =	sst s7  }
0x10: {  	[smem:$0x3FB0] =	sst s8  }
0x11: {  	[smem:$0x3FB1] =	sst s9;
	s0 =	simm.s32 @!p0 $0x0  }
0x12: {  	s1 =	sld [smem:$0x3F97];
	s0 =	simm.s32 @p0 $0x1  }
0x13: {  	[smem:$0x3FB2] =	sst s0;
	s0 =	simm.s32 @!p1 $0x0  }
0x14: {  	s2 =	sld [smem:$0x3F96];
	s0 =	simm.s32 @p1 $0x1  }
0x15: {  	[smem:$0x3FB3] =	sst s0;
	s0 =	simm.s32 @!p2 $0x0  }
0x16: {  	s3 =	sld [smem:$0x3FDB];
	s0 =	simm.s32 @p2 $0x1  }
0x17: {  	s4 =	simm.s32 $0x1BF5;
	[smem:$0x3FB5] =	sst s0  }
0x18: {  	s0 =	sld [smem:$0x3F98];
	_ =	swait.ge [sflag:s4], $0x0  }
0x19: {  	s7 =	sld [smem:$0x3F99]  }
0x1a: {  	s8 =	sadd.s32 $0xFFFFE003, lr  }
0x1b: {  	s9 =	sadd.s32 $0xFFFFFEF7, lr;
	s5 =	simm.s32 $0xFFFFFFFF;
	p2 =	slt.u32 s8, $0xFFFFF086  }
0x1c: {  	p1 =	slt.u32 s9, $0xF7A;
	s5 =	simm.s32 @!p2 $0x0  }
0x1d: {  	s5 =	simm.s32 @p1 $0x1;
	p0 =	seq.s32 s7, s2  }
0x1e: {  	s7 =	smul.u32 @!p0 $0xF7A, s2;
	p2 =	seq.s32 @!p0 s5, $0x0  }
0x1f: {  	s9 =	smul.u32 $0xF7A, s1;
	s8 =	simm.s32 @!p0 $0x1BF5;
	p2 =	por !p2, p0  }
0x20: {  	[sflag:s8] =	ssyncset.s32 @!p0 $0xFFFFF086;
	s6 =	sadd.s32 @!p0 s3, s7;
	s7 =	simm.s32 @!p0 $0x108  }
0x21: {  	s3 =	sadd.s32 s3, s9;
	s6 =	sadd.s32 @!p0 $0x88, s6;
	s7 =	simm.s32 @p2 $0x1082  }
0x22: {  	[simem:s7], [sflag:s8] =	dma.local @!p0 [hbm:s6], $0xF7A  }
0x23: {  	s9 =	sor.u32 $0xD0000000, s2;
	s6 =	simm.s32 $0x108;
	_ =	swait.ge @!p0 [sflag:s8], $0x0  }
0x24: {  	s3 =	sadd.s32 $0x88, s3;
	s6 =	simm.s32 @!p1 $0x1082;
	[sflag:s4] =	ssyncset.s32 $0xFFFFF086  }
0x25: {  	[simem:s6], [sflag:s4] =	dma.local [hbm:s3], $0xF7A  }
0x26: {  	[smem:$0x3F99] =	sst s1;
	(tag) =	ssettag s2;
	_ =	strace s9  }
0x27: {  	s1 =	sld [smem:$0x3FA9]  }
0x28: {  	s2 =	sld [smem:$0x3FAA]  }
0x29: {  	s4 =	sld [smem:$0x3FAC]  }
0x2a: {  	p0 =	seq.s32 s5, $0x0;
	s5 =	sld [smem:$0x3FAD]  }
0x2b: {  	s6 =	sld [smem:$0x3FAE]  }
0x2c: {  	s7 =	sld [smem:$0x3FAF]  }
0x2d: {  	s3 =	simm.s32 $0x108;
	s8 =	sld [smem:$0x3FB0]  }
0x2e: {  	s3 =	simm.s32 @!p0 $0x1082;
	s9 =	sld [smem:$0x3FB1]  }
0x2f: {  	lr =	sadd.s32 s0, s3;
	s0 =	sld [smem:$0x3FA8]  }
0x30: {  	s3 =	sld [smem:$0x3FAB]  }
0x31: {  	[smem:$0x3FB4] =	sst s10  }
0x32: {  	s10 =	sld [smem:$0x3FB2];
	_ =	sdelay $0x3  }
0x33: {  	p0 =	seq.s32 s10, $0x1;
	s10 =	sld [smem:$0x3FB4];
	_ =	sdelay $0x3  }
0x34: {  	[smem:$0x3FB4] =	sst s10  }
0x35: {  	s10 =	sld [smem:$0x3FB3];
	_ =	sdelay $0x3  }
0x36: {  	p1 =	seq.s32 s10, $0x1;
	s10 =	sld [smem:$0x3FB4];
	_ =	sdelay $0x3  }
0x37: {  	[smem:$0x3FB4] =	sst s10  }
0x38: {  	s10 =	sld [smem:$0x3FB5]  }
0x39: {  	_ = 	snop;
	(pc) =	sbr.ind lr, $3  }
0x3a: {  	_ = 	snop  }
0x3b: {  	_ = 	snop  }
0x3c: {  	p2 =	seq.s32 s10, $0x1;
	s10 =	sld [smem:$0x3FB4]  }
0x3d: {  	_ =	shalt  }
0x3e: {  	_ =	shalt  }
0x3f: {  	_ =	shalt  }
0x40: {  	_ =	shalt  }
0x41: {  	_ =	shalt  }
0x42: {  	_ =	shalt  }
0x43: {  	_ =	shalt  }
0x44: {  	_ =	shalt  }
0x45: {  	_ =	shalt  }
0x46: {  	_ =	shalt  }
0x47: {  	_ =	shalt  }
0x48: {  	_ =	shalt  }
0x49: {  	_ =	shalt  }
0x4a: {  	_ =	shalt  }
0x4b: {  	_ =	shalt  }
0x4c: {  	_ =	shalt  }
0x4d: {  	_ =	shalt  }
0x4e: {  	_ =	shalt  }
0x4f: {  	_ =	shalt  }
0x50: {  	_ =	shalt  }
0x51: {  	_ =	shalt  }
0x52: {  	_ =	shalt  }
0x53: {  	_ =	shalt  }
0x54: {  	_ =	shalt  }
0x55: {  	_ =	shalt  }
0x56: {  	_ =	shalt  }
0x57: {  	_ =	shalt  }
0x58: {  	_ =	shalt  }
0x59: {  	_ =	shalt  }
0x5a: {  	_ =	shalt  }
0x5b: {  	_ =	shalt  }
0x5c: {  	_ =	shalt  }
0x5d: {  	_ =	shalt  }
0x5e: {  	_ =	shalt  }
0x5f: {  	_ =	shalt  }
0x60: {  	_ =	shalt  }
0x61: {  	_ =	shalt  }
0x62: {  	_ =	shalt  }
0x63: {  	_ =	shalt  }
0x64: {  	_ =	shalt  }
0x65: {  	_ =	shalt  }
0x66: {  	_ =	shalt  }
0x67: {  	_ =	shalt  }
0x68: {  	_ =	shalt  }
0x69: {  	_ =	shalt  }
0x6a: {  	_ =	shalt  }
0x6b: {  	_ =	shalt  }
0x6c: {  	_ =	shalt  }
0x6d: {  	_ =	shalt  }
0x6e: {  	_ =	shalt  }
0x6f: {  	_ =	shalt  }
0x70: {  	_ =	shalt  }
0x71: {  	_ =	shalt  }
0x72: {  	_ =	shalt  }
0x73: {  	_ =	shalt  }
0x74: {  	_ =	shalt  }
0x75: {  	_ =	shalt  }
0x76: {  	_ =	shalt  }
0x77: {  	_ =	shalt  }
0x78: {  	_ =	shalt  }
0x79: {  	_ =	shalt  }
0x7a: {  	_ =	shalt  }
0x7b: {  	_ =	shalt  }
0x7c: {  	_ =	shalt  }
0x7d: {  	_ =	shalt  }
0x7e: {  	_ =	shalt  }
0x7f: {  	_ =	shalt  }
0x80: {  	_ =	shalt  }
0x81: {  	_ =	shalt  }
0x82: {  	_ =	shalt  }
0x83: {  	_ =	shalt  }
0x84: {  	_ =	shalt  }
0x85: {  	_ =	shalt  }
0x86: {  	_ =	shalt  }
0x87: {  	_ =	shalt  }
.Lfunc_end0:
.L_simem_size_0:
called_computation.1_lowered:
.L_overlay_start_0:
0x88: {  	s2 =	sld [smem:$0x3FD9]  }
0x89: {  	s3 =	sld [smem:$0x3FFE];
	_ =	sdelay $0x1  }
0x8a: {  	s1 =	srdreg.scid  }
0x8b: {  	s0 =	sand.u32 $0x1, s1  }
0x8c: {  	s17 =	sshll.u32 s0, $0xA;
	s2 =	sadd.s32 s3, s2  }
0x8d: {  	s2 =	sadd.s32 s2, s17  }
0x8e: {  	[smem:$0x3FC0] =	sst s2  }
0x8f: {  	_ = 	snop  }
0x90: {  	s2 =	sld [smem:$0x3FD0];
	(tm) =	ssettm $0x1  }
0x91: {  	s18 =	sld [smem:$0x3FFB];
	_ =	sdelay $0x3  }
0x92: {  	_ =	strace s18  }
0x93: {  	s3 =	sld [smem:$0x3FFC];
	_ =	sdelay $0x3  }
0x94: {  	_ =	strace s3  }
0x95: {  	s3 =	sld [smem:$0x3FFD];
	_ =	sdelay $0x3  }
0x96: {  	_ =	strace s3  }
0x97: {  	_ =	strace $0x8FFFFFFF  }
0x98: {  	s19 =	sld [smem:$0x3FDB];
	_ =	sdelay $0x1  }
0x99: {  	s4 =	simm.s32 $_scs_section_size  }
0x9a: {  	s5 =	simm.s32 $_size__tile_overlayer_lowered;
	s6 =	simm.s32 $_tile_overlayer_lowered  }
0x9b: {  	s22 =	simm.s32 $0x1BFF;
	s21 =	sshll.u32 s6, $0x1;
	s3 =	sadd.s32 s4, s19  }
0x9c: {  	s7 =	simm.s32 $0x0;
	s20 =	sshll.u32 s5, $0x1;
	s5 =	sadd.s32 s21, s3  }
0x9d: {  	[timem:s7], [sflag:s22] =	dma.local [hbm:s5], s20  }
0x9e: {  	_ =	swait.ge [sflag:s22], s20  }
0x9f: {  	s4 =	ssub.s32 $0x0, s20;
	[sflag:s22] =	ssyncset.done $0x0  }
0xa0: {  	[sflag:s22] =	ssyncadd.s32 s4;
	_ =	sdelay $0x1  }
0xa1: {  	s23 =	simm.s32 $0x1B8B  }
0xa2: {  	_ =	swait.ge [sflag:s23], $0x1  }
0xa3: {  	[sflag:s23] =	ssyncset.done $0x0  }
0xa4: {  	s25 =	simm.s32 $0x1B8E;
	s24 =	sld [smem:$0x3FFE];
	[sflag:s23] =	ssyncadd.s32 $0xFFFFFFFF  }
0xa5: {  	s26 =	simm.s32 $execute0_lowered;
	[smem:$0x3FD2] =	sst s25  }
0xa6: {  	s5 =	sshll.u32 s26, $0x1;
	_ =	strace $0x80000049;
	[dreg:$0x1] =	wrdreg $0xFFFFFFFF  }
0xa7: {  	s28 =	simm.s32 $_size_execute0_lowered;
	s3 =	sadd.s32 s3, s5;
	[dreg:$0x0] =	wrdreg $0x0  }
0xa8: {  	s5 =	sshll.u32 s28, $0x1;
	[dreg:$0x2] =	wrdreg s3  }
0xa9: {  	[dreg:$0x3] =	wrdreg s5  }
0xaa: {  	[dreg:$0x4] =	wrdreg $0xC0  }
0xab: {  	_ =	task [dreg:s7], $0x5FFFF  }
0xac: {  	[dreg:$0x1] =	wrdreg $0xFFFFFFFF  }
0xad: {  	[dreg:$0x0] =	wrdreg $0x60  }
0xae: {  	[dreg:$0x2] =	wrdreg s24  }
0xaf: {  	[dreg:$0x3] =	wrdreg s2  }
0xb0: {  	[dreg:$0x4] =	wrdreg $0x9  }
0xb1: {  	_ =	task.clear_ibuf [dreg:s7], $0x5FFFF;
	_ =	strace $0x90000049  }
0xb2: {  	s29 =	simm.s32 $0x9;
	_ =	strace $0x8000004B  }
0xb3: {  	_ =	swait.ge [sflag:s29], $0x1  }
0xb4: {  	[sflag:s29] =	ssyncadd.s32 $0xFFFFFFFF  }
0xb5: {  	_ =	strace $0x9000004B  }
0xb6: {  	_ =	sfence  }
0xb7: {  	s30 =	sld [smem:$0x0];
	_ =	sdelay $0x2  }
0xb8: {  	s31 =	sshll.u32 s1, $0xD;
	s1 =	sshrl.u32 s1, $0x2  }
0xb9: {  	s3 =	sand.u32 $0x4000, s31;
	s1 =	sadd.s32 s1, s30  }
0xba: {  	s0 =	sor.u32 s3, s0;
	s1 =	sshll.u32 s1, $0x11  }
0xbb: {  	s0 =	sor.u32 s1, s0  }
0xbc: {  	s0 =	sadd.s32 $0x8F2B, s0  }
0xbd: {  	[sflag:s0] =	ssyncadd.remote.s32 $0x1  }
0xbe: {  	_ =	sfence.sel $0xFFFF  }
0xbf: {  	[dreg:$0x0] =	wrdreg $0xFFFFFFFF;
	(pc) =	sbr.abs _section_cstart, $3  }
0xc0: {  	[dreg:$0x1] =	wrdreg $0xFFFFFFFF  }
0xc1: {  	_ =	task.clear_ibuf [dreg:s7], $0x2FFFF;
	_ =	strace $0x9FFFFFFF  }
0xc2: {  	(tm) =	ssettm $0x7FFFFFFF  }
0xc3: {  	_ =	shalt  }
tec
execute0_lowered:
.L_overlay_start_1:
0x0: {  	(tag) =	ssettag $0x1  }
0x1: {  	s0 =	rddreg [dreg:$0x0]  }
0x2: {  	s1 =	rddreg [dreg:$0x1]  }
0x3: {  	s2 =	srdreg.scid;
	s3 =	stileid.u32;
	s26 =	simm.s32 $0x80  }
0x4: {  	s18 =	simm.s32 $0x1;
	s19 =	simm.s32 $0x2;
	s20 =	simm.s32 $0x3  }
0x5: {  	s28 =	simm.s32 $0x1900;
	s29 =	simm.s32 $0x2100;
	s30 =	simm.s32 $0x2900  }
0x6: {  	s31 =	simm.s32 $0x3100;
	s11 =	simm.s32 $0x5100;
	s12 =	simm.s32 $0x5900  }
0x7: {  	s13 =	simm.s32 $0x6100;
	s14 =	simm.s32 $0x6900;
	s15 =	simm.s32 $0x7100  }
0x8: {  	s16 =	simm.s32 $0x7900;
	s17 =	simm.s32 $0x8900;
	s4 =	sand.u32 $0x1, s2  }
0x9: {  	s2 =	simm.s32 $0x0;
	s3 =	sshll.u32 s3, $0x7;
	s7 =	sadd.s32 $0xA1C00, s0  }
0xa: {  	s5 =	sshll.u32 s4, $0x6;
	[smem:$0x7FF] =	sst s2;
	s4 =	ssub.s32 $0x2, s4  }
0xb: {  	s5 =	sor.u32 s5, s3;
	_ =	strace $0x8000004A;
	s3 =	sadd.s32 $0x1600, s0  }
0xc: {  	s10 =	sshrl.u32 s4, $0x1;
	[dreg:$0x9] =	wrdreg s26;
	s26 =	simm.s32 $0x1100  }
0xd: {  	s6 =	sshrl.u32 s5, $0x3;
	s5 =	sshll.u32 s5, $0x7;
	s22 =	ssub.s32 s4, s10  }
0xe: {  	s4 =	sadd.s32 $0x1700, s0;
	s10 =	simm.s32 $0x4900;
	s6 =	sadd.s32 s6, s0  }
0xf: {  	s21 =	sadd.s32 s1, s5;
	s9 =	sor.u32 $0x1000, s5;
	s24 =	sadd.s32 s7, s5  }
0x10: {  	s5 =	sadd.s32 $0x1800, s0;
	s8 =	sadd.s32 $0xA1A00, s6;
	[dreg:$0x4] =	wrdreg s21  }
0x11: {  	s1 =	sadd.s32 s1, s9;
	s23 =	sadd.s32 $0xA1800, s6;
	[dreg:$0x7] =	wrdreg s24  }
0x12: {  	s25 =	sadd.s32 s7, s9;
	s6 =	sadd.s32 $0x1900, s0;
	[dreg:$0x3] =	wrdreg s8  }
0x13: {  	v2 =	vlaneseq.u32;
	s7 =	smax.u32 s22, $0x1;
	s21 =	simm.s32 $0x4;
	[dreg:$0x5] =	wrdreg s1  }
0x14: {  	vm0 =	vmmov $0xffff;
	v1 =	vshrl.u32 v2, $0x3;
	s24 =	simm.s32 $0x900;
	s9 =	simm.s32 $0x9100;
	[dreg:$0x6] =	wrdreg s23  }
0x15: {  	v0 =	vand.u32 $0x7, v2;
	v2 =	vor.u32 $0x8, v2;
	v1 =	vmul.u32 $0x8, v1;
	[dreg:$0x8] =	wrdreg s25;
	s25 =	simm.s32 $0x100;
	s8 =	simm.s32 $0x8100  }
.LBB2_1:
0x16: {  	s22 =	rddreg [dreg:$0x3];
	s0 =	simm.s32 $0x5  }
0x17: {  	[tilespmem:s2], [sflag:$0x5] =	stream.linear.gather [hbm4b:s22+s2], $0x40, $0x38;
	[tilespmem:$0x10100] =	vst v63  }
0x18: {  	_ =	swait.ge [sflag:s0], $0x40  }
0x19: {  	[sflag:s0] =	ssyncset.done $0x0  }
0x1a: {  	[sflag:s0] =	ssyncadd.s32 $0xFFFFFFC0  }
0x1b: {  	v3 =	vld [tilespmem:$0x0];
	_ =	sdelay $0x4  }
0x1c: {  	vm1 =	vlt.s32 v3, $0x13FF  }
0x1d: {  	v3 =	vnsel vm1, $0x13FF, v3  }
0x1e: {  	v4 =	vld [tilespmem:$0x10];
	v5 =	vshll.u32 v3, $0x3  }
0x1f: {  	v6 =	vld [tilespmem:$0x20];
	v7 =	vand.u32 $0x7, v3;
	v5 =	vand.u32 $0xFFFFFFC0, v5  }
0x20: {  	v8 =	vld [tilespmem:$0x30];
	v5 =	vor.u32 v7, v5  }
0x21: {  	v7 =	vperm.xlane v5, v0;
	_ =	sdelay $0x1  }
0x22: {  	vm1 =	vlt.s32 v4, $0x13FF;
	v7 =	vadd.s32 v1, v7  }
0x23: {  	[tilespmem:$0x0] =	vst v3;
	v3 =	vnsel vm1, $0x13FF, v4;
	vm1 =	vlt.s32 v6, $0x13FF  }
0x24: {  	[tilespmem:$0x10] =	vst v3;
	v3 =	vnsel vm1, $0x13FF, v6;
	vm1 =	vlt.s32 v8, $0x13FF  }
0x25: {  	[tilespmem:$0x20] =	vst v3;
	v3 =	vnsel vm1, $0x13FF, v8  }
0x26: {  	[tilespmem:$0x30] =	vst v3  }
0x27: {  	[tilespmem:s25], [sflag:$0x1] =	stream.indirect_vreg.gather [hbm4b:s3+s2], $0x80, v7, vm0, $0xb8;
	[tilespmem:$0x10100] =	vst v63  }
0x28: {  	v3 =	vperm.xlane v5, v2  }
0x29: {  	[tilespmem:s24], [sflag:$0x1] =	stream.indirect_vreg.gather [hbm4b:s4+s2], $0x80, v7, vm0, $0xb8;
	[tilespmem:$0x10100] =	vst v63  }
0x2a: {  	v3 =	vadd.s32 v1, v3  }
0x2b: {  	[tilespmem:s26], [sflag:$0x1] =	stream.indirect_vreg.gather [hbm4b:s5+s2], $0x80, v7, vm0, $0xb8;
	[tilespmem:$0x10100] =	vst v63  }
0x2c: {  	_ = 	snop  }
0x2d: {  	[tilespmem:s28], [sflag:$0x1] =	stream.indirect_vreg.gather [hbm4b:s6+s2], $0x80, v7, vm0, $0xb8;
	[tilespmem:$0x10100] =	vst v63  }
0x2e: {  	_ = 	snop  }
0x2f: {  	[tilespmem:s29], [sflag:$0x1] =	stream.indirect_vreg.gather [hbm4b:s3+s2], $0x80, v3, vm0, $0xb8;
	[tilespmem:$0x10100] =	vst v63  }
0x30: {  	_ = 	snop  }
0x31: {  	[tilespmem:s30], [sflag:$0x1] =	stream.indirect_vreg.gather [hbm4b:s4+s2], $0x80, v3, vm0, $0xb8;
	[tilespmem:$0x10100] =	vst v63  }
0x32: {  	_ = 	snop  }
0x33: {  	[tilespmem:s31], [sflag:$0x1] =	stream.indirect_vreg.gather [hbm4b:s5+s2], $0x80, v3, vm0, $0xb8;
	[tilespmem:$0x10100] =	vst v63  }
0x34: {  	s1 =	simm.s32 $0x3900  }
0x35: {  	[tilespmem:s1], [sflag:$0x1] =	stream.indirect_vreg.gather [hbm4b:s6+s2], $0x80, v3, vm0, $0xb8;
	[tilespmem:$0x10100] =	vst v63  }
0x36: {  	v3 =	vld [tilespmem:$0x10];
	_ =	sdelay $0x4  }
0x37: {  	v53 =	vshll.u32 v3, $0x3  }
0x38: {  	v3 =	vand.u32 $0x7, v3;
	v4 =	vand.u32 $0xFFFFFFC0, v53  }
0x39: {  	v3 =	vor.u32 v3, v4  }
0x3a: {  	v4 =	vperm.xlane v3, v0;
	_ =	sdelay $0x1  }
0x3b: {  	v4 =	vadd.s32 v1, v4;
	_ =	sdelay $0x3  }
0x3c: {  	s1 =	simm.s32 $0x4100  }
0x3d: {  	[tilespmem:s1], [sflag:$0x1] =	stream.indirect_vreg.gather [hbm4b:s3+s2], $0x80, v4, vm0, $0xb8;
	[tilespmem:$0x10100] =	vst v63  }
0x3e: {  	v3 =	vperm.xlane v3, v2  }
0x3f: {  	[tilespmem:s10], [sflag:$0x1] =	stream.indirect_vreg.gather [hbm4b:s4+s2], $0x80, v4, vm0, $0xb8;
	[tilespmem:$0x10100] =	vst v63  }
0x40: {  	v3 =	vadd.s32 v1, v3  }
0x41: {  	[tilespmem:s11], [sflag:$0x1] =	stream.indirect_vreg.gather [hbm4b:s5+s2], $0x80, v4, vm0, $0xb8;
	[tilespmem:$0x10100] =	vst v63  }
0x42: {  	_ = 	snop  }
0x43: {  	[tilespmem:s12], [sflag:$0x1] =	stream.indirect_vreg.gather [hbm4b:s6+s2], $0x80, v4, vm0, $0xb8;
	[tilespmem:$0x10100] =	vst v63  }
0x44: {  	_ = 	snop  }
0x45: {  	[tilespmem:s13], [sflag:$0x1] =	stream.indirect_vreg.gather [hbm4b:s3+s2], $0x80, v3, vm0, $0xb8;
	[tilespmem:$0x10100] =	vst v63  }
0x46: {  	_ = 	snop  }
0x47: {  	[tilespmem:s14], [sflag:$0x1] =	stream.indirect_vreg.gather [hbm4b:s4+s2], $0x80, v3, vm0, $0xb8;
	[tilespmem:$0x10100] =	vst v63  }
0x48: {  	_ = 	snop  }
0x49: {  	[tilespmem:s15], [sflag:$0x1] =	stream.indirect_vreg.gather [hbm4b:s5+s2], $0x80, v3, vm0, $0xb8;
	[tilespmem:$0x10100] =	vst v63  }
0x4a: {  	_ = 	snop  }
0x4b: {  	[tilespmem:s16], [sflag:$0x1] =	stream.indirect_vreg.gather [hbm4b:s6+s2], $0x80, v3, vm0, $0xb8;
	[tilespmem:$0x10100] =	vst v63  }
0x4c: {  	v3 =	vld [tilespmem:$0x20];
	_ =	sdelay $0x4  }
0x4d: {  	v54 =	vshll.u32 v3, $0x3  }
0x4e: {  	v3 =	vand.u32 $0x7, v3;
	v4 =	vand.u32 $0xFFFFFFC0, v54  }
0x4f: {  	v3 =	vor.u32 v3, v4  }
0x50: {  	v4 =	vperm.xlane v3, v0;
	_ =	sdelay $0x1  }
0x51: {  	v4 =	vadd.s32 v1, v4;
	_ =	sdelay $0x4  }
0x52: {  	[tilespmem:s8], [sflag:$0x2] =	stream.indirect_vreg.gather [hbm4b:s3+s2], $0x80, v4, vm0, $0xb8;
	[tilespmem:$0x10100] =	vst v63  }
0x53: {  	v3 =	vperm.xlane v3, v2  }
0x54: {  	[tilespmem:s17], [sflag:$0x2] =	stream.indirect_vreg.gather [hbm4b:s4+s2], $0x80, v4, vm0, $0xb8;
	[tilespmem:$0x10100] =	vst v63  }
0x55: {  	v3 =	vadd.s32 v1, v3  }
0x56: {  	[tilespmem:s9], [sflag:$0x2] =	stream.indirect_vreg.gather [hbm4b:s5+s2], $0x80, v4, vm0, $0xb8;
	[tilespmem:$0x10100] =	vst v63  }
0x57: {  	s23 =	simm.s32 $0x9900  }
0x58: {  	[tilespmem:s23], [sflag:$0x2] =	stream.indirect_vreg.gather [hbm4b:s6+s2], $0x80, v4, vm0, $0xb8;
	[tilespmem:$0x10100] =	vst v63  }
0x59: {  	s23 =	simm.s32 $0xA100  }
0x5a: {  	[tilespmem:s23], [sflag:$0x2] =	stream.indirect_vreg.gather [hbm4b:s3+s2], $0x80, v3, vm0, $0xb8;
	[tilespmem:$0x10100] =	vst v63  }
0x5b: {  	s23 =	simm.s32 $0xA900  }
0x5c: {  	[tilespmem:s23], [sflag:$0x2] =	stream.indirect_vreg.gather [hbm4b:s4+s2], $0x80, v3, vm0, $0xb8;
	[tilespmem:$0x10100] =	vst v63  }
0x5d: {  	s23 =	simm.s32 $0xB100  }
0x5e: {  	[tilespmem:s23], [sflag:$0x2] =	stream.indirect_vreg.gather [hbm4b:s5+s2], $0x80, v3, vm0, $0xb8;
	[tilespmem:$0x10100] =	vst v63  }
0x5f: {  	s23 =	simm.s32 $0xB900  }
0x60: {  	[tilespmem:s23], [sflag:$0x2] =	stream.indirect_vreg.gather [hbm4b:s6+s2], $0x80, v3, vm0, $0xb8;
	[tilespmem:$0x10100] =	vst v63  }
0x61: {  	v3 =	vld [tilespmem:$0x30];
	_ =	sdelay $0x4  }
0x62: {  	v55 =	vshll.u32 v3, $0x3  }
0x63: {  	v3 =	vand.u32 $0x7, v3;
	v4 =	vand.u32 $0xFFFFFFC0, v55  }
0x64: {  	v3 =	vor.u32 v3, v4  }
0x65: {  	v4 =	vperm.xlane v3, v0;
	_ =	sdelay $0x1  }
0x66: {  	v4 =	vadd.s32 v1, v4;
	_ =	sdelay $0x3  }
0x67: {  	s23 =	simm.s32 $0xC100  }
0x68: {  	[tilespmem:s23], [sflag:$0x2] =	stream.indirect_vreg.gather [hbm4b:s3+s2], $0x80, v4, vm0, $0xb8;
	[tilespmem:$0x10100] =	vst v63  }
0x69: {  	v3 =	vperm.xlane v3, v2;
	s23 =	simm.s32 $0xC900  }
0x6a: {  	[tilespmem:s23], [sflag:$0x2] =	stream.indirect_vreg.gather [hbm4b:s4+s2], $0x80, v4, vm0, $0xb8;
	[tilespmem:$0x10100] =	vst v63  }
0x6b: {  	v3 =	vadd.s32 v1, v3;
	s23 =	simm.s32 $0xD100  }
0x6c: {  	[tilespmem:s23], [sflag:$0x2] =	stream.indirect_vreg.gather [hbm4b:s5+s2], $0x80, v4, vm0, $0xb8;
	[tilespmem:$0x10100] =	vst v63  }
0x6d: {  	s23 =	simm.s32 $0xD900  }
0x6e: {  	[tilespmem:s23], [sflag:$0x2] =	stream.indirect_vreg.gather [hbm4b:s6+s2], $0x80, v4, vm0, $0xb8;
	[tilespmem:$0x10100] =	vst v63  }
0x6f: {  	s23 =	simm.s32 $0xE100  }
0x70: {  	[tilespmem:s23], [sflag:$0x2] =	stream.indirect_vreg.gather [hbm4b:s3+s2], $0x80, v3, vm0, $0xb8;
	[tilespmem:$0x10100] =	vst v63  }
0x71: {  	s23 =	simm.s32 $0xE900  }
0x72: {  	[tilespmem:s23], [sflag:$0x2] =	stream.indirect_vreg.gather [hbm4b:s4+s2], $0x80, v3, vm0, $0xb8;
	[tilespmem:$0x10100] =	vst v63  }
0x73: {  	s23 =	simm.s32 $0xF100  }
0x74: {  	[tilespmem:s23], [sflag:$0x2] =	stream.indirect_vreg.gather [hbm4b:s5+s2], $0x80, v3, vm0, $0xb8;
	[tilespmem:$0x10100] =	vst v63  }
0x75: {  	s23 =	simm.s32 $0xF900  }
0x76: {  	[tilespmem:s23], [sflag:$0x2] =	stream.indirect_vreg.gather [hbm4b:s6+s2], $0x80, v3, vm0, $0xb8;
	[tilespmem:$0x10100] =	vst v63  }
0x77: {  	_ =	swait.ge [sflag:s18], $0x8000  }
0x78: {  	[sflag:s18] =	ssyncset.done $0x0  }
0x79: {  	s23 =	rddreg [dreg:$0x4];
	[sflag:s18] =	ssyncadd.s32 $0xFFFF8000  }
0x7a: {  	[hbm4b:s23+s2] =	stream.linear.scatter [tilespmem:s25], [sflag:$0x3], $0x8000, $0x38;
	[tilespmem:$0x10100] =	vst v63  }
0x7b: {  	_ =	swait.ge [sflag:s19], $0x8000  }
0x7c: {  	[sflag:s19] =	ssyncset.done $0x0  }
0x7d: {  	s23 =	rddreg [dreg:$0x5];
	[sflag:s19] =	ssyncadd.s32 $0xFFFF8000  }
0x7e: {  	[hbm4b:s23+s2] =	stream.linear.scatter [tilespmem:s8], [sflag:$0x4], $0x8000, $0x38;
	[tilespmem:$0x10100] =	vst v63  }
0x7f: {  	_ =	swait.ge [sflag:s20], $0x8000  }
0x80: {  	[sflag:s20] =	ssyncset.done $0x0  }
0x81: {  	[sflag:s20] =	ssyncadd.s32 $0xFFFF8000  }
0x82: {  	_ =	swait.ge [sflag:s21], $0x8000  }
0x83: {  	s22 =	rddreg [dreg:$0x6];
	[sflag:s21] =	ssyncset.done $0x0  }
0x84: {  	s23 =	rddreg [dreg:$0x9];
	[sflag:s21] =	ssyncadd.s32 $0xFFFF8000  }
0x85: {  	[tilespmem:s23], [sflag:$0x5] =	stream.linear.gather [hbm4b:s22+s2], $0x40, $0x38;
	[tilespmem:$0x10100] =	vst v63  }
0x86: {  	_ =	swait.ge [sflag:s0], $0x40  }
0x87: {  	[sflag:s0] =	ssyncset.done $0x0  }
0x88: {  	[sflag:s0] =	ssyncadd.s32 $0xFFFFFFC0  }
0x89: {  	v3 =	vld [tilespmem:$0x80];
	_ =	sdelay $0x4  }
0x8a: {  	vm1 =	vlt.s32 v3, $0x13FF  }
0x8b: {  	v3 =	vnsel vm1, $0x13FF, v3  }
0x8c: {  	v56 =	vld [tilespmem:$0x90];
	v57 =	vshll.u32 v3, $0x3  }
0x8d: {  	v58 =	vld [tilespmem:$0xA0];
	v59 =	vand.u32 $0x7, v3;
	v5 =	vand.u32 $0xFFFFFFC0, v57  }
0x8e: {  	v60 =	vld [tilespmem:$0xB0];
	v5 =	vor.u32 v59, v5  }
0x8f: {  	v7 =	vperm.xlane v5, v0;
	_ =	sdelay $0x1  }
0x90: {  	vm1 =	vlt.s32 v56, $0x13FF;
	v7 =	vadd.s32 v1, v7  }
0x91: {  	[tilespmem:$0x80] =	vst v3;
	v3 =	vnsel vm1, $0x13FF, v56;
	vm1 =	vlt.s32 v58, $0x13FF  }
0x92: {  	[tilespmem:$0x90] =	vst v3;
	v3 =	vnsel vm1, $0x13FF, v58;
	vm1 =	vlt.s32 v60, $0x13FF  }
0x93: {  	[tilespmem:$0xA0] =	vst v3;
	v3 =	vnsel vm1, $0x13FF, v60  }
0x94: {  	[tilespmem:$0xB0] =	vst v3  }
0x95: {  	[tilespmem:s25], [sflag:$0x1] =	stream.indirect_vreg.gather [hbm4b:s3+s2], $0x80, v7, vm0, $0xb8;
	[tilespmem:$0x10100] =	vst v63  }
0x96: {  	v3 =	vperm.xlane v5, v2  }
0x97: {  	[tilespmem:s24], [sflag:$0x1] =	stream.indirect_vreg.gather [hbm4b:s4+s2], $0x80, v7, vm0, $0xb8;
	[tilespmem:$0x10100] =	vst v63  }
0x98: {  	v3 =	vadd.s32 v1, v3  }
0x99: {  	[tilespmem:s26], [sflag:$0x1] =	stream.indirect_vreg.gather [hbm4b:s5+s2], $0x80, v7, vm0, $0xb8;
	[tilespmem:$0x10100] =	vst v63  }
0x9a: {  	_ = 	snop  }
0x9b: {  	[tilespmem:s28], [sflag:$0x1] =	stream.indirect_vreg.gather [hbm4b:s6+s2], $0x80, v7, vm0, $0xb8;
	[tilespmem:$0x10100] =	vst v63  }
0x9c: {  	_ = 	snop  }
0x9d: {  	[tilespmem:s29], [sflag:$0x1] =	stream.indirect_vreg.gather [hbm4b:s3+s2], $0x80, v3, vm0, $0xb8;
	[tilespmem:$0x10100] =	vst v63  }
0x9e: {  	_ = 	snop  }
0x9f: {  	[tilespmem:s30], [sflag:$0x1] =	stream.indirect_vreg.gather [hbm4b:s4+s2], $0x80, v3, vm0, $0xb8;
	[tilespmem:$0x10100] =	vst v63  }
0xa0: {  	_ = 	snop  }
0xa1: {  	[tilespmem:s31], [sflag:$0x1] =	stream.indirect_vreg.gather [hbm4b:s5+s2], $0x80, v3, vm0, $0xb8;
	[tilespmem:$0x10100] =	vst v63  }
0xa2: {  	s22 =	simm.s32 $0x3900  }
0xa3: {  	[tilespmem:s22], [sflag:$0x1] =	stream.indirect_vreg.gather [hbm4b:s6+s2], $0x80, v3, vm0, $0xb8;
	[tilespmem:$0x10100] =	vst v63  }
0xa4: {  	v3 =	vld [tilespmem:$0x90];
	_ =	sdelay $0x4  }
0xa5: {  	v61 =	vshll.u32 v3, $0x3  }
0xa6: {  	v3 =	vand.u32 $0x7, v3;
	v4 =	vand.u32 $0xFFFFFFC0, v61  }
0xa7: {  	v3 =	vor.u32 v3, v4  }
0xa8: {  	v4 =	vperm.xlane v3, v0;
	_ =	sdelay $0x1  }
0xa9: {  	v4 =	vadd.s32 v1, v4;
	_ =	sdelay $0x4  }
0xaa: {  	[tilespmem:s1], [sflag:$0x1] =	stream.indirect_vreg.gather [hbm4b:s3+s2], $0x80, v4, vm0, $0xb8;
	[tilespmem:$0x10100] =	vst v63  }
0xab: {  	v3 =	vperm.xlane v3, v2  }
0xac: {  	[tilespmem:s10], [sflag:$0x1] =	stream.indirect_vreg.gather [hbm4b:s4+s2], $0x80, v4, vm0, $0xb8;
	[tilespmem:$0x10100] =	vst v63  }
0xad: {  	v3 =	vadd.s32 v1, v3  }
0xae: {  	[tilespmem:s11], [sflag:$0x1] =	stream.indirect_vreg.gather [hbm4b:s5+s2], $0x80, v4, vm0, $0xb8;
	[tilespmem:$0x10100] =	vst v63  }
0xaf: {  	_ = 	snop  }
0xb0: {  	[tilespmem:s12], [sflag:$0x1] =	stream.indirect_vreg.gather [hbm4b:s6+s2], $0x80, v4, vm0, $0xb8;
	[tilespmem:$0x10100] =	vst v63  }
0xb1: {  	_ = 	snop  }
0xb2: {  	[tilespmem:s13], [sflag:$0x1] =	stream.indirect_vreg.gather [hbm4b:s3+s2], $0x80, v3, vm0, $0xb8;
	[tilespmem:$0x10100] =	vst v63  }
0xb3: {  	_ = 	snop  }
0xb4: {  	[tilespmem:s14], [sflag:$0x1] =	stream.indirect_vreg.gather [hbm4b:s4+s2], $0x80, v3, vm0, $0xb8;
	[tilespmem:$0x10100] =	vst v63  }
0xb5: {  	_ = 	snop  }
0xb6: {  	[tilespmem:s15], [sflag:$0x1] =	stream.indirect_vreg.gather [hbm4b:s5+s2], $0x80, v3, vm0, $0xb8;
	[tilespmem:$0x10100] =	vst v63  }
0xb7: {  	_ = 	snop  }
0xb8: {  	[tilespmem:s16], [sflag:$0x1] =	stream.indirect_vreg.gather [hbm4b:s6+s2], $0x80, v3, vm0, $0xb8;
	[tilespmem:$0x10100] =	vst v63  }
0xb9: {  	v3 =	vld [tilespmem:$0xA0];
	_ =	sdelay $0x4  }
0xba: {  	v62 =	vshll.u32 v3, $0x3  }
0xbb: {  	v3 =	vand.u32 $0x7, v3;
	v4 =	vand.u32 $0xFFFFFFC0, v62  }
0xbc: {  	v3 =	vor.u32 v3, v4  }
0xbd: {  	v4 =	vperm.xlane v3, v0;
	_ =	sdelay $0x1  }
0xbe: {  	v4 =	vadd.s32 v1, v4;
	_ =	sdelay $0x4  }
0xbf: {  	[tilespmem:s8], [sflag:$0x2] =	stream.indirect_vreg.gather [hbm4b:s3+s2], $0x80, v4, vm0, $0xb8;
	[tilespmem:$0x10100] =	vst v63  }
0xc0: {  	v3 =	vperm.xlane v3, v2  }
0xc1: {  	[tilespmem:s17], [sflag:$0x2] =	stream.indirect_vreg.gather [hbm4b:s4+s2], $0x80, v4, vm0, $0xb8;
	[tilespmem:$0x10100] =	vst v63  }
0xc2: {  	v3 =	vadd.s32 v1, v3  }
0xc3: {  	[tilespmem:s9], [sflag:$0x2] =	stream.indirect_vreg.gather [hbm4b:s5+s2], $0x80, v4, vm0, $0xb8;
	[tilespmem:$0x10100] =	vst v63  }
0xc4: {  	s23 =	simm.s32 $0x9900  }
0xc5: {  	[tilespmem:s23], [sflag:$0x2] =	stream.indirect_vreg.gather [hbm4b:s6+s2], $0x80, v4, vm0, $0xb8;
	[tilespmem:$0x10100] =	vst v63  }
0xc6: {  	s1 =	simm.s32 $0xA100  }
0xc7: {  	[tilespmem:s1], [sflag:$0x2] =	stream.indirect_vreg.gather [hbm4b:s3+s2], $0x80, v3, vm0, $0xb8;
	[tilespmem:$0x10100] =	vst v63  }
0xc8: {  	s22 =	simm.s32 $0xA900  }
0xc9: {  	[tilespmem:s22], [sflag:$0x2] =	stream.indirect_vreg.gather [hbm4b:s4+s2], $0x80, v3, vm0, $0xb8;
	[tilespmem:$0x10100] =	vst v63  }
0xca: {  	s23 =	simm.s32 $0xB100  }
0xcb: {  	[tilespmem:s23], [sflag:$0x2] =	stream.indirect_vreg.gather [hbm4b:s5+s2], $0x80, v3, vm0, $0xb8;
	[tilespmem:$0x10100] =	vst v63  }
0xcc: {  	s1 =	simm.s32 $0xB900  }
0xcd: {  	[tilespmem:s1], [sflag:$0x2] =	stream.indirect_vreg.gather [hbm4b:s6+s2], $0x80, v3, vm0, $0xb8;
	[tilespmem:$0x10100] =	vst v63  }
0xce: {  	v3 =	vld [tilespmem:$0xB0];
	_ =	sdelay $0x4  }
0xcf: {  	v63 =	vshll.u32 v3, $0x3  }
0xd0: {  	v3 =	vand.u32 $0x7, v3;
	v4 =	vand.u32 $0xFFFFFFC0, v63  }
0xd1: {  	v3 =	vor.u32 v3, v4  }
0xd2: {  	v4 =	vperm.xlane v3, v0;
	_ =	sdelay $0x1  }
0xd3: {  	v4 =	vadd.s32 v1, v4;
	_ =	sdelay $0x3  }
0xd4: {  	s22 =	simm.s32 $0xC100  }
0xd5: {  	[tilespmem:s22], [sflag:$0x2] =	stream.indirect_vreg.gather [hbm4b:s3+s2], $0x80, v4, vm0, $0xb8;
	[tilespmem:$0x10100] =	vst v63  }
0xd6: {  	s23 =	simm.s32 $0xC900;
	v3 =	vperm.xlane v3, v2  }
0xd7: {  	[tilespmem:s23], [sflag:$0x2] =	stream.indirect_vreg.gather [hbm4b:s4+s2], $0x80, v4, vm0, $0xb8;
	[tilespmem:$0x10100] =	vst v63  }
0xd8: {  	s1 =	simm.s32 $0xD100;
	v3 =	vadd.s32 v1, v3  }
0xd9: {  	[tilespmem:s1], [sflag:$0x2] =	stream.indirect_vreg.gather [hbm4b:s5+s2], $0x80, v4, vm0, $0xb8;
	[tilespmem:$0x10100] =	vst v63  }
0xda: {  	s22 =	simm.s32 $0xD900  }
0xdb: {  	[tilespmem:s22], [sflag:$0x2] =	stream.indirect_vreg.gather [hbm4b:s6+s2], $0x80, v4, vm0, $0xb8;
	[tilespmem:$0x10100] =	vst v63  }
0xdc: {  	s23 =	simm.s32 $0xE100  }
0xdd: {  	[tilespmem:s23], [sflag:$0x2] =	stream.indirect_vreg.gather [hbm4b:s3+s2], $0x80, v3, vm0, $0xb8;
	[tilespmem:$0x10100] =	vst v63  }
0xde: {  	s1 =	simm.s32 $0xE900  }
0xdf: {  	[tilespmem:s1], [sflag:$0x2] =	stream.indirect_vreg.gather [hbm4b:s4+s2], $0x80, v3, vm0, $0xb8;
	[tilespmem:$0x10100] =	vst v63  }
0xe0: {  	s22 =	simm.s32 $0xF100  }
0xe1: {  	[tilespmem:s22], [sflag:$0x2] =	stream.indirect_vreg.gather [hbm4b:s5+s2], $0x80, v3, vm0, $0xb8;
	[tilespmem:$0x10100] =	vst v63  }
0xe2: {  	s23 =	simm.s32 $0xF900  }
0xe3: {  	[tilespmem:s23], [sflag:$0x2] =	stream.indirect_vreg.gather [hbm4b:s6+s2], $0x80, v3, vm0, $0xb8;
	[tilespmem:$0x10100] =	vst v63  }
0xe4: {  	_ =	swait.ge [sflag:s18], $0x8000  }
0xe5: {  	[sflag:s18] =	ssyncset.done $0x0  }
0xe6: {  	s1 =	rddreg [dreg:$0x7];
	[sflag:s18] =	ssyncadd.s32 $0xFFFF8000  }
0xe7: {  	[hbm4b:s1+s2] =	stream.linear.scatter [tilespmem:s25], [sflag:$0x3], $0x8000, $0x38;
	[tilespmem:$0x10100] =	vst v63  }
0xe8: {  	_ =	swait.ge [sflag:s19], $0x8000  }
0xe9: {  	[sflag:s19] =	ssyncset.done $0x0  }
0xea: {  	s23 =	rddreg [dreg:$0x8];
	[sflag:s19] =	ssyncadd.s32 $0xFFFF8000  }
0xeb: {  	[hbm4b:s23+s2] =	stream.linear.scatter [tilespmem:s8], [sflag:$0x4], $0x8000, $0x38;
	[tilespmem:$0x10100] =	vst v63  }
0xec: {  	p0 =	sne.s32 s7, $0x1;
	_ =	swait.ge [sflag:s20], $0x8000  }
.Ltmp0:
0xed: {  	[sflag:s20] =	ssyncset.done $0x0;
	(pc) =	sbr.rel @p0 .LBB2_1-.Ltmp0, $4  }
0xee: {  	[sflag:s20] =	ssyncadd.s32 $0xFFFF8000  }
0xef: {  	_ =	swait.ge [sflag:s21], $0x8000  }
0xf0: {  	[sflag:s21] =	ssyncset.done $0x0  }
0xf1: {  	s7 =	sadd.s32 $0xFFFFFFFF, s7;
	[sflag:s21] =	ssyncadd.s32 $0xFFFF8000  }
0xf2: {  	_ =	sfence.sel $0x180000  }
0xf3: {  	[bflag:$0x0] =	sbarrier.arrive $0xFFFF  }
0xf4: {  	_ =	strace $0x9000004A  }
0xf5: {  	s0 =	stileid.u32;
	[bflag:$0x2] =	sbarrier.arrive $0xFFFF  }
0xf6: {  	p0 =	sne.s32 s0, $0x0;
	s0 =	rddreg [dreg:$0x2]  }
0xf7: {  	s0 =	sadd.s32 @!p0 $0x100000, s0  }
0xf8: {  	[sflag:s0] =	ssyncadd.tile.s32 @!p0 $0x1;
	_ =	shalt  }
.Lfunc_end2:
_tile_overlayer_lowered:
.L_overlay_start_2:
0xf9: {  	(tag) =	ssettag $0x2  }
0xfa: {  	s0 =	rddreg [dreg:$0x0];
	s2 =	stileid.u32  }
0xfb: {  	s1 =	rddreg [dreg:$0x1];
	p0 =	sne.s32 s2, $0x0  }
0xfc: {  	s3 =	rddreg [dreg:$0x2];
	[bflag:$0x3] =	sbarrier.arrive $0xFFFF;
	s2 =	simm.s32 @!p0 $0x1C05  }
0xfd: {  	[timem:s3], [sflag:s2] =	dma.local @!p0 [hbm:s0], s1  }
0xfe: {  	s0 =	simm.s32 @!p0 $0x5  }
0xff: {  	_ =	swait.ge @!p0 [sflag:s0], s1  }
0x100: {  	s1 =	ssub.s32 @!p0 $0x0, s1;
	[sflag:s0] =	ssyncset.done @!p0 $0x0  }
0x101: {  	[sflag:s0] =	ssyncadd.s32 @!p0 s1  }
0x102: {  	[bflag:$0x3] =	sbarrier.arrive $0xFFFF  }
0x103: {  	_ =	shalt  }

// kernel: kernel.9.cloned.1.call-start
scs
__scs_entry_jumppad:
0x0: {  	(pc) =	sbr.rel $0x88, $3  }
0x1: {  	(tag) =	ssettag $0x0;
	lr =	simm.s32 $0x1  }
0x2: {  	[smem:$0x3F99] =	sst lr;
	_ =	strace $0xD0000000  }
0x3: {  	_ = 	snop  }
0x4: {  	_ = 	snop  }
0x5: {  	_ = 	snop  }
0x6: {  	_ = 	snop  }
0x7: {  	_ = 	snop  }
__scs_overlays_trampoline_lowered:
0x8: {  	[smem:$0x3FA8] =	sst s0  }
0x9: {  	[smem:$0x3FA9] =	sst s1  }
0xa: {  	[smem:$0x3FAA] =	sst s2  }
0xb: {  	[smem:$0x3FAB] =	sst s3  }
0xc: {  	[smem:$0x3FAC] =	sst s4  }
0xd: {  	[smem:$0x3FAD] =	sst s5  }
0xe: {  	[smem:$0x3FAE] =	sst s6  }
0xf: {  	[smem:$0x3FAF] =	sst s7  }
0x10: {  	[smem:$0x3FB0] =	sst s8  }
0x11: {  	[smem:$0x3FB1] =	sst s9;
	s0 =	simm.s32 @!p0 $0x0  }
0x12: {  	s1 =	sld [smem:$0x3F97];
	s0 =	simm.s32 @p0 $0x1  }
0x13: {  	[smem:$0x3FB2] =	sst s0;
	s0 =	simm.s32 @!p1 $0x0  }
0x14: {  	s2 =	sld [smem:$0x3F96];
	s0 =	simm.s32 @p1 $0x1  }
0x15: {  	[smem:$0x3FB3] =	sst s0;
	s0 =	simm.s32 @!p2 $0x0  }
0x16: {  	s3 =	sld [smem:$0x3FDB];
	s0 =	simm.s32 @p2 $0x1  }
0x17: {  	s4 =	simm.s32 $0x1BF5;
	[smem:$0x3FB5] =	sst s0  }
0x18: {  	s0 =	sld [smem:$0x3F98];
	_ =	swait.ge [sflag:s4], $0x0  }
0x19: {  	s7 =	sld [smem:$0x3F99]  }
0x1a: {  	s8 =	sadd.s32 $0xFFFFE003, lr  }
0x1b: {  	s9 =	sadd.s32 $0xFFFFFEF7, lr;
	s5 =	simm.s32 $0xFFFFFFFF;
	p2 =	slt.u32 s8, $0xFFFFF086  }
0x1c: {  	p1 =	slt.u32 s9, $0xF7A;
	s5 =	simm.s32 @!p2 $0x0  }
0x1d: {  	s5 =	simm.s32 @p1 $0x1;
	p0 =	seq.s32 s7, s2  }
0x1e: {  	s7 =	smul.u32 @!p0 $0xF7A, s2;
	p2 =	seq.s32 @!p0 s5, $0x0  }
0x1f: {  	s9 =	smul.u32 $0xF7A, s1;
	s8 =	simm.s32 @!p0 $0x1BF5;
	p2 =	por !p2, p0  }
0x20: {  	[sflag:s8] =	ssyncset.s32 @!p0 $0xFFFFF086;
	s6 =	sadd.s32 @!p0 s3, s7;
	s7 =	simm.s32 @!p0 $0x108  }
0x21: {  	s3 =	sadd.s32 s3, s9;
	s6 =	sadd.s32 @!p0 $0x88, s6;
	s7 =	simm.s32 @p2 $0x1082  }
0x22: {  	[simem:s7], [sflag:s8] =	dma.local @!p0 [hbm:s6], $0xF7A  }
0x23: {  	s9 =	sor.u32 $0xD0000000, s2;
	s6 =	simm.s32 $0x108;
	_ =	swait.ge @!p0 [sflag:s8], $0x0  }
0x24: {  	s3 =	sadd.s32 $0x88, s3;
	s6 =	simm.s32 @!p1 $0x1082;
	[sflag:s4] =	ssyncset.s32 $0xFFFFF086  }
0x25: {  	[simem:s6], [sflag:s4] =	dma.local [hbm:s3], $0xF7A  }
0x26: {  	[smem:$0x3F99] =	sst s1;
	(tag) =	ssettag s2;
	_ =	strace s9  }
0x27: {  	s1 =	sld [smem:$0x3FA9]  }
0x28: {  	s2 =	sld [smem:$0x3FAA]  }
0x29: {  	s4 =	sld [smem:$0x3FAC]  }
0x2a: {  	p0 =	seq.s32 s5, $0x0;
	s5 =	sld [smem:$0x3FAD]  }
0x2b: {  	s6 =	sld [smem:$0x3FAE]  }
0x2c: {  	s7 =	sld [smem:$0x3FAF]  }
0x2d: {  	s3 =	simm.s32 $0x108;
	s8 =	sld [smem:$0x3FB0]  }
0x2e: {  	s3 =	simm.s32 @!p0 $0x1082;
	s9 =	sld [smem:$0x3FB1]  }
0x2f: {  	lr =	sadd.s32 s0, s3;
	s0 =	sld [smem:$0x3FA8]  }
0x30: {  	s3 =	sld [smem:$0x3FAB]  }
0x31: {  	[smem:$0x3FB4] =	sst s10  }
0x32: {  	s10 =	sld [smem:$0x3FB2];
	_ =	sdelay $0x3  }
0x33: {  	p0 =	seq.s32 s10, $0x1;
	s10 =	sld [smem:$0x3FB4];
	_ =	sdelay $0x3  }
0x34: {  	[smem:$0x3FB4] =	sst s10  }
0x35: {  	s10 =	sld [smem:$0x3FB3];
	_ =	sdelay $0x3  }
0x36: {  	p1 =	seq.s32 s10, $0x1;
	s10 =	sld [smem:$0x3FB4];
	_ =	sdelay $0x3  }
0x37: {  	[smem:$0x3FB4] =	sst s10  }
0x38: {  	s10 =	sld [smem:$0x3FB5]  }
0x39: {  	_ = 	snop;
	(pc) =	sbr.ind lr, $3  }
0x3a: {  	_ = 	snop  }
0x3b: {  	_ = 	snop  }
0x3c: {  	p2 =	seq.s32 s10, $0x1;
	s10 =	sld [smem:$0x3FB4]  }
0x3d: {  	_ =	shalt  }
0x3e: {  	_ =	shalt  }
0x3f: {  	_ =	shalt  }
0x40: {  	_ =	shalt  }
0x41: {  	_ =	shalt  }
0x42: {  	_ =	shalt  }
0x43: {  	_ =	shalt  }
0x44: {  	_ =	shalt  }
0x45: {  	_ =	shalt  }
0x46: {  	_ =	shalt  }
0x47: {  	_ =	shalt  }
0x48: {  	_ =	shalt  }
0x49: {  	_ =	shalt  }
0x4a: {  	_ =	shalt  }
0x4b: {  	_ =	shalt  }
0x4c: {  	_ =	shalt  }
0x4d: {  	_ =	shalt  }
0x4e: {  	_ =	shalt  }
0x4f: {  	_ =	shalt  }
0x50: {  	_ =	shalt  }
0x51: {  	_ =	shalt  }
0x52: {  	_ =	shalt  }
0x53: {  	_ =	shalt  }
0x54: {  	_ =	shalt  }
0x55: {  	_ =	shalt  }
0x56: {  	_ =	shalt  }
0x57: {  	_ =	shalt  }
0x58: {  	_ =	shalt  }
0x59: {  	_ =	shalt  }
0x5a: {  	_ =	shalt  }
0x5b: {  	_ =	shalt  }
0x5c: {  	_ =	shalt  }
0x5d: {  	_ =	shalt  }
0x5e: {  	_ =	shalt  }
0x5f: {  	_ =	shalt  }
0x60: {  	_ =	shalt  }
0x61: {  	_ =	shalt  }
0x62: {  	_ =	shalt  }
0x63: {  	_ =	shalt  }
0x64: {  	_ =	shalt  }
0x65: {  	_ =	shalt  }
0x66: {  	_ =	shalt  }
0x67: {  	_ =	shalt  }
0x68: {  	_ =	shalt  }
0x69: {  	_ =	shalt  }
0x6a: {  	_ =	shalt  }
0x6b: {  	_ =	shalt  }
0x6c: {  	_ =	shalt  }
0x6d: {  	_ =	shalt  }
0x6e: {  	_ =	shalt  }
0x6f: {  	_ =	shalt  }
0x70: {  	_ =	shalt  }
0x71: {  	_ =	shalt  }
0x72: {  	_ =	shalt  }
0x73: {  	_ =	shalt  }
0x74: {  	_ =	shalt  }
0x75: {  	_ =	shalt  }
0x76: {  	_ =	shalt  }
0x77: {  	_ =	shalt  }
0x78: {  	_ =	shalt  }
0x79: {  	_ =	shalt  }
0x7a: {  	_ =	shalt  }
0x7b: {  	_ =	shalt  }
0x7c: {  	_ =	shalt  }
0x7d: {  	_ =	shalt  }
0x7e: {  	_ =	shalt  }
0x7f: {  	_ =	shalt  }
0x80: {  	_ =	shalt  }
0x81: {  	_ =	shalt  }
0x82: {  	_ =	shalt  }
0x83: {  	_ =	shalt  }
0x84: {  	_ =	shalt  }
0x85: {  	_ =	shalt  }
0x86: {  	_ =	shalt  }
0x87: {  	_ =	shalt  }
.Lfunc_end0:
.L_simem_size_0:
called_computation_lowered:
.L_overlay_start_0:
0x88: {  	s2 =	sld [smem:$0x3FD9]  }
0x89: {  	s3 =	sld [smem:$0x3FFE];
	_ =	sdelay $0x1  }
0x8a: {  	s1 =	srdreg.scid  }
0x8b: {  	s0 =	sand.u32 $0x1, s1  }
0x8c: {  	s17 =	sshll.u32 s0, $0xA;
	s2 =	sadd.s32 s3, s2  }
0x8d: {  	s2 =	sadd.s32 s2, s17  }
0x8e: {  	[smem:$0x3FC0] =	sst s2  }
0x8f: {  	_ = 	snop  }
0x90: {  	s2 =	sld [smem:$0x3FD0];
	(tm) =	ssettm $0x1  }
0x91: {  	s18 =	sld [smem:$0x3FFB];
	_ =	sdelay $0x3  }
0x92: {  	_ =	strace s18  }
0x93: {  	s3 =	sld [smem:$0x3FFC];
	_ =	sdelay $0x3  }
0x94: {  	_ =	strace s3  }
0x95: {  	s3 =	sld [smem:$0x3FFD];
	_ =	sdelay $0x3  }
0x96: {  	_ =	strace s3  }
0x97: {  	_ =	strace $0x8FFFFFFF  }
0x98: {  	s19 =	sld [smem:$0x3FDB];
	_ =	sdelay $0x1  }
0x99: {  	s4 =	simm.s32 $_scs_section_size  }
0x9a: {  	s5 =	simm.s32 $_size__tile_overlayer_lowered;
	s6 =	simm.s32 $_tile_overlayer_lowered  }
0x9b: {  	s22 =	simm.s32 $0x1BFF;
	s21 =	sshll.u32 s6, $0x1;
	s3 =	sadd.s32 s4, s19  }
0x9c: {  	s7 =	simm.s32 $0x0;
	s20 =	sshll.u32 s5, $0x1;
	s5 =	sadd.s32 s21, s3  }
0x9d: {  	[timem:s7], [sflag:s22] =	dma.local [hbm:s5], s20  }
0x9e: {  	_ =	swait.ge [sflag:s22], s20  }
0x9f: {  	s4 =	ssub.s32 $0x0, s20;
	[sflag:s22] =	ssyncset.done $0x0  }
0xa0: {  	[sflag:s22] =	ssyncadd.s32 s4;
	_ =	sdelay $0x1  }
0xa1: {  	s23 =	simm.s32 $0x1B8B  }
0xa2: {  	_ =	swait.ge [sflag:s23], $0x1  }
0xa3: {  	[sflag:s23] =	ssyncset.done $0x0  }
0xa4: {  	s25 =	simm.s32 $0x1B8E;
	s24 =	sld [smem:$0x3FFE];
	[sflag:s23] =	ssyncadd.s32 $0xFFFFFFFF  }
0xa5: {  	s26 =	simm.s32 $execute0_lowered;
	[smem:$0x3FD2] =	sst s25  }
0xa6: {  	s5 =	sshll.u32 s26, $0x1;
	_ =	strace $0x80000046;
	[dreg:$0x1] =	wrdreg $0xFFFFFFFF  }
0xa7: {  	s28 =	simm.s32 $_size_execute0_lowered;
	s3 =	sadd.s32 s3, s5;
	[dreg:$0x0] =	wrdreg $0x0  }
0xa8: {  	s5 =	sshll.u32 s28, $0x1;
	[dreg:$0x2] =	wrdreg s3  }
0xa9: {  	[dreg:$0x3] =	wrdreg s5  }
0xaa: {  	[dreg:$0x4] =	wrdreg $0xC0  }
0xab: {  	_ =	task [dreg:s7], $0x5FFFF  }
0xac: {  	[dreg:$0x1] =	wrdreg $0xFFFFFFFF  }
0xad: {  	[dreg:$0x0] =	wrdreg $0x60  }
0xae: {  	[dreg:$0x2] =	wrdreg s24  }
0xaf: {  	[dreg:$0x3] =	wrdreg s2  }
0xb0: {  	[dreg:$0x4] =	wrdreg $0x9  }
0xb1: {  	_ =	task.clear_ibuf [dreg:s7], $0x5FFFF;
	_ =	strace $0x90000046  }
0xb2: {  	s29 =	simm.s32 $0x9;
	_ =	strace $0x80000048  }
0xb3: {  	_ =	swait.ge [sflag:s29], $0x1  }
0xb4: {  	[sflag:s29] =	ssyncadd.s32 $0xFFFFFFFF  }
0xb5: {  	_ =	strace $0x90000048  }
0xb6: {  	_ =	sfence  }
0xb7: {  	s30 =	sld [smem:$0x0];
	_ =	sdelay $0x2  }
0xb8: {  	s31 =	sshll.u32 s1, $0xD;
	s1 =	sshrl.u32 s1, $0x2  }
0xb9: {  	s3 =	sand.u32 $0x4000, s31;
	s1 =	sadd.s32 s1, s30  }
0xba: {  	s0 =	sor.u32 s3, s0;
	s1 =	sshll.u32 s1, $0x11  }
0xbb: {  	s0 =	sor.u32 s1, s0  }
0xbc: {  	s0 =	sadd.s32 $0x8F2B, s0  }
0xbd: {  	[sflag:s0] =	ssyncadd.remote.s32 $0x1  }
0xbe: {  	_ =	sfence.sel $0xFFFF  }
0xbf: {  	[dreg:$0x0] =	wrdreg $0xFFFFFFFF;
	(pc) =	sbr.abs _section_cstart, $3  }
0xc0: {  	[dreg:$0x1] =	wrdreg $0xFFFFFFFF  }
0xc1: {  	_ =	task.clear_ibuf [dreg:s7], $0x2FFFF;
	_ =	strace $0x9FFFFFFF  }
0xc2: {  	(tm) =	ssettm $0x7FFFFFFF  }
0xc3: {  	_ =	shalt  }
tec
execute0_lowered:
.L_overlay_start_1:
0x0: {  	(tag) =	ssettag $0x1  }
0x1: {  	s0 =	rddreg [dreg:$0x0]  }
0x2: {  	s2 =	rddreg [dreg:$0x1];
	s3 =	simm.s32 $0x0  }
0x3: {  	s1 =	srdreg.scid;
	s4 =	stileid.u32;
	s15 =	simm.s32 $0x1000  }
0x4: {  	s16 =	simm.s32 $0x1900;
	s17 =	simm.s32 $0x3100;
	s12 =	simm.s32 $0x3900  }
0x5: {  	s18 =	simm.s32 $0x4100;
	s13 =	simm.s32 $0x4900;
	s19 =	simm.s32 $0x5100  }
0x6: {  	s14 =	simm.s32 $0x8900;
	s31 =	simm.s32 $0x9900;
	s29 =	simm.s32 $0xB900  }
0x7: {  	s30 =	simm.s32 $0xC100;
	s28 =	simm.s32 $0x11100;
	[smem:$0x7FF] =	sst s3  }
0x8: {  	s1 =	sand.u32 $0x1, s1;
	s4 =	sshll.u32 s4, $0x1;
	s20 =	sadd.s32 $0x1600, s0  }
0x9: {  	s0 =	sadd.s32 $0x1800, s0;
	s5 =	ssub.s32 $0x2, s1;
	s1 =	sor.u32 s1, s4  }
0xa: {  	s7 =	sadd.s32 $0x300, s2;
	_ =	strace $0x80000047;
	s6 =	smul.u32 $0x28000, s1  }
0xb: {  	[dreg:$0x3] =	wrdreg s20;
	s21 =	sshrl.u32 s5, $0x1;
	s8 =	smul.u32 $0xA0, s1  }
0xc: {  	s20 =	simm.s32 $0x5900;
	s1 =	smul.u32 $0x5000, s1;
	s4 =	ssub.s32 s5, s21  }
0xd: {  	s5 =	sadd.s32 $0x100, s2;
	s9 =	sshrl.u32 s6, $0x3;
	s26 =	smax.u32 s4, $0x1  }
0xe: {  	s9 =	sadd.s32 s0, s9;
	s0 =	sadd.s32 s0, s1;
	[dreg:$0x9] =	wrdreg s26  }
0xf: {  	s21 =	simm.s32 $0x6100;
	[dreg:$0x4] =	wrdreg s0;
	s22 =	sadd.s32 $0x1000, s9  }
0x10: {  	s6 =	sadd.s32 $0x200, s2;
	s23 =	sadd.s32 $0x2000, s9;
	[dreg:$0x5] =	wrdreg s22  }
0x11: {  	s4 =	simm.s32 $0x0;
	s24 =	sadd.s32 $0x3000, s9;
	[dreg:$0x6] =	wrdreg s23  }
0x12: {  	v1 =	vlaneseq.u32;
	v2 =	vimm.s32 $0x0;
	s26 =	simm.s32 $0x9100;
	s25 =	sadd.s32 $0x4000, s9;
	[dreg:$0x7] =	wrdreg s24  }
0x13: {  	vm0 =	vmmov $0xffff;
	v3 =	vand.u32 $0x7, v1;
	v4 =	vshrl.u32 v1, $0x3;
	s1 =	simm.s32 $0x4;
	[dreg:$0x8] =	wrdreg s25;
	s22 =	simm.s32 $0x6900  }
0x14: {  	v5 =	vor.u32 $0x8, v1;
	v4 =	vmul.u32 $0x8, v4;
	v0 =	vmov s8;
	s23 =	simm.s32 $0x7100;
	s24 =	simm.s32 $0x7900;
	s25 =	simm.s32 $0x8100  }
.LBB2_1:
0x15: {  	s8 =	rddreg [dreg:$0x3];
	s11 =	simm.s32 $0x7  }
0x16: {  	[tilespmem:s3], [sflag:$0x7] =	stream.linear.gather [hbm4b:s8+s3], $0x1000, $0x38;
	[tilespmem:$0x19100] =	vst v63  }
0x17: {  	_ =	swait.ge [sflag:s11], $0x1000  }
0x18: {  	[sflag:s11] =	ssyncset.done $0x0  }
0x19: {  	[sflag:s11] =	ssyncadd.s32 $0xFFFFF000  }
0x1a: {  	[tilespmem:$0x1000] =	vst v2  }
0x1b: {  	[tilespmem:$0x1010] =	vst v2  }
0x1c: {  	[tilespmem:$0x1020] =	vst v2  }
0x1d: {  	[tilespmem:$0x1030] =	vst v2  }
0x1e: {  	[tilespmem:$0x1040] =	vst v2  }
0x1f: {  	[tilespmem:$0x1050] =	vst v2  }
0x20: {  	[tilespmem:$0x1060] =	vst v2  }
0x21: {  	[tilespmem:$0x1070] =	vst v2  }
0x22: {  	[tilespmem:$0x1080] =	vst v2  }
0x23: {  	s9 =	simm.s32 $0x0;
	s8 =	simm.s32 $0x20;
	[tilespmem:$0x1090] =	vst v2  }
.LBB2_2:
0x24: {  	v6 =	vld [tilespmem:s8+$0xFFFFFFE0];
	_ =	sdelay $0x4  }
0x25: {  	v6 =	vsub.s32 v6, v0  }
0x26: {  	vm1 =	vgt.s32 v6, $0x0  }
0x27: {  	vm2 =	vlt.u32 v6, $0xA0;
	v6 =	vnsel vm1, $0x0, v6  }
0x28: {  	v6 =	vmin.u32 v6, $0x9F;
	_ =	sdelay $0x2  }
0x29: {  	v7 =	vor.u32 s9, v1  }
0x2a: {  	v7 =	vshrl.u32 v7, $0x1  }
0x2b: {  	[tilespmem:v6+s15+$0x0] =	vst.idx.msk vm2, v7  }
0x2c: {  	v6 =	vld [tilespmem:s8+$0xFFFFFFF0];
	_ =	sdelay $0x4  }
0x2d: {  	v6 =	vsub.s32 v6, v0  }
0x2e: {  	vm1 =	vgt.s32 v6, $0x0  }
0x2f: {  	vm2 =	vlt.u32 v6, $0xA0;
	v6 =	vnsel vm1, $0x0, v6  }
0x30: {  	v6 =	vmin.u32 v6, $0x9F;
	_ =	sdelay $0x1  }
0x31: {  	s10 =	sadd.s32 $0x10, s9  }
0x32: {  	v7 =	vor.u32 s10, v1  }
0x33: {  	v7 =	vshrl.u32 v7, $0x1  }
0x34: {  	[tilespmem:v6+s15+$0x0] =	vst.idx.msk vm2, v7  }
0x35: {  	v6 =	vld [tilespmem:s8+$0x0];
	_ =	sdelay $0x4  }
0x36: {  	v6 =	vsub.s32 v6, v0  }
0x37: {  	vm1 =	vgt.s32 v6, $0x0  }
0x38: {  	vm2 =	vlt.u32 v6, $0xA0;
	v6 =	vnsel vm1, $0x0, v6  }
0x39: {  	v6 =	vmin.u32 v6, $0x9F;
	_ =	sdelay $0x1  }
0x3a: {  	s0 =	sadd.s32 $0x20, s9  }
0x3b: {  	v7 =	vor.u32 s0, v1  }
0x3c: {  	v7 =	vshrl.u32 v7, $0x1  }
0x3d: {  	[tilespmem:v6+s15+$0x0] =	vst.idx.msk vm2, v7  }
0x3e: {  	v6 =	vld [tilespmem:s8+$0x10];
	_ =	sdelay $0x4  }
0x3f: {  	v6 =	vsub.s32 v6, v0  }
0x40: {  	vm1 =	vgt.s32 v6, $0x0  }
0x41: {  	vm2 =	vlt.u32 v6, $0xA0;
	v6 =	vnsel vm1, $0x0, v6  }
0x42: {  	p0 =	sne.s32 s9, $0xFC0;
	v6 =	vmin.u32 v6, $0x9F  }
.Ltmp0:
0x43: {  	_ = 	snop;
	(pc) =	sbr.rel @p0 .LBB2_2-.Ltmp0, $4  }
0x44: {  	s11 =	sadd.s32 $0x30, s9  }
0x45: {  	v7 =	vor.u32 s11, v1  }
0x46: {  	v7 =	vshrl.u32 v7, $0x1  }
0x47: {  	s9 =	sadd.s32 $0x40, s9;
	s8 =	sadd.s32 $0x40, s8;
	[tilespmem:v6+s15+$0x0] =	vst.idx.msk vm2, v7  }
0x48: {  	v6 =	vld [tilespmem:$0x1000];
	_ =	sdelay $0x4  }
0x49: {  	v7 =	vshll.u32 v6, $0x3  }
0x4a: {  	v6 =	vand.u32 $0x7, v6;
	v7 =	vand.u32 $0xFFFFFFC0, v7  }
0x4b: {  	v6 =	vor.u32 v6, v7  }
0x4c: {  	v7 =	vperm.xlane v6, v3;
	_ =	sdelay $0x1  }
0x4d: {  	v7 =	vadd.s32 v4, v7;
	_ =	sdelay $0x3  }
0x4e: {  	s9 =	simm.s32 $0x1100  }
0x4f: {  	[tilespmem:s9], [sflag:$0x1] =	stream.indirect_vreg.gather [hbm4b:s2+s3], $0x80, v7, vm0, $0xb8;
	[tilespmem:$0x19100] =	vst v63  }
0x50: {  	v6 =	vperm.xlane v6, v5  }
0x51: {  	[tilespmem:s16], [sflag:$0x1] =	stream.indirect_vreg.gather [hbm4b:s5+s3], $0x80, v7, vm0, $0xb8;
	[tilespmem:$0x19100] =	vst v63  }
0x52: {  	s10 =	simm.s32 $0x2100;
	v6 =	vadd.s32 v4, v6  }
0x53: {  	[tilespmem:s10], [sflag:$0x1] =	stream.indirect_vreg.gather [hbm4b:s6+s3], $0x80, v7, vm0, $0xb8;
	[tilespmem:$0x19100] =	vst v63  }
0x54: {  	s11 =	simm.s32 $0x2900  }
0x55: {  	[tilespmem:s11], [sflag:$0x1] =	stream.indirect_vreg.gather [hbm4b:s7+s3], $0x80, v7, vm0, $0xb8;
	[tilespmem:$0x19100] =	vst v63  }
0x56: {  	_ = 	snop  }
0x57: {  	[tilespmem:s17], [sflag:$0x1] =	stream.indirect_vreg.gather [hbm4b:s2+s3], $0x80, v6, vm0, $0xb8;
	[tilespmem:$0x19100] =	vst v63  }
0x58: {  	_ = 	snop  }
0x59: {  	[tilespmem:s12], [sflag:$0x1] =	stream.indirect_vreg.gather [hbm4b:s5+s3], $0x80, v6, vm0, $0xb8;
	[tilespmem:$0x19100] =	vst v63  }
0x5a: {  	_ = 	snop  }
0x5b: {  	[tilespmem:s18], [sflag:$0x1] =	stream.indirect_vreg.gather [hbm4b:s6+s3], $0x80, v6, vm0, $0xb8;
	[tilespmem:$0x19100] =	vst v63  }
0x5c: {  	_ = 	snop  }
0x5d: {  	[tilespmem:s13], [sflag:$0x1] =	stream.indirect_vreg.gather [hbm4b:s7+s3], $0x80, v6, vm0, $0xb8;
	[tilespmem:$0x19100] =	vst v63  }
0x5e: {  	v6 =	vld [tilespmem:$0x1010];
	_ =	sdelay $0x4  }
0x5f: {  	v7 =	vshll.u32 v6, $0x3  }
0x60: {  	v6 =	vand.u32 $0x7, v6;
	v7 =	vand.u32 $0xFFFFFFC0, v7  }
0x61: {  	v6 =	vor.u32 v6, v7  }
0x62: {  	v7 =	vperm.xlane v6, v3;
	_ =	sdelay $0x1  }
0x63: {  	v7 =	vadd.s32 v4, v7;
	_ =	sdelay $0x4  }
0x64: {  	[tilespmem:s19], [sflag:$0x1] =	stream.indirect_vreg.gather [hbm4b:s2+s3], $0x80, v7, vm0, $0xb8;
	[tilespmem:$0x19100] =	vst v63  }
0x65: {  	v6 =	vperm.xlane v6, v5  }
0x66: {  	[tilespmem:s20], [sflag:$0x1] =	stream.indirect_vreg.gather [hbm4b:s5+s3], $0x80, v7, vm0, $0xb8;
	[tilespmem:$0x19100] =	vst v63  }
0x67: {  	v6 =	vadd.s32 v4, v6  }
0x68: {  	[tilespmem:s21], [sflag:$0x1] =	stream.indirect_vreg.gather [hbm4b:s6+s3], $0x80, v7, vm0, $0xb8;
	[tilespmem:$0x19100] =	vst v63  }
0x69: {  	_ = 	snop  }
0x6a: {  	[tilespmem:s22], [sflag:$0x1] =	stream.indirect_vreg.gather [hbm4b:s7+s3], $0x80, v7, vm0, $0xb8;
	[tilespmem:$0x19100] =	vst v63  }
0x6b: {  	_ = 	snop  }
0x6c: {  	[tilespmem:s23], [sflag:$0x1] =	stream.indirect_vreg.gather [hbm4b:s2+s3], $0x80, v6, vm0, $0xb8;
	[tilespmem:$0x19100] =	vst v63  }
0x6d: {  	_ = 	snop  }
0x6e: {  	[tilespmem:s24], [sflag:$0x1] =	stream.indirect_vreg.gather [hbm4b:s5+s3], $0x80, v6, vm0, $0xb8;
	[tilespmem:$0x19100] =	vst v63  }
0x6f: {  	_ = 	snop  }
0x70: {  	[tilespmem:s25], [sflag:$0x1] =	stream.indirect_vreg.gather [hbm4b:s6+s3], $0x80, v6, vm0, $0xb8;
	[tilespmem:$0x19100] =	vst v63  }
0x71: {  	_ = 	snop  }
0x72: {  	[tilespmem:s14], [sflag:$0x1] =	stream.indirect_vreg.gather [hbm4b:s7+s3], $0x80, v6, vm0, $0xb8;
	[tilespmem:$0x19100] =	vst v63  }
0x73: {  	v6 =	vld [tilespmem:$0x1020];
	_ =	sdelay $0x4  }
0x74: {  	v7 =	vshll.u32 v6, $0x3  }
0x75: {  	v6 =	vand.u32 $0x7, v6;
	v7 =	vand.u32 $0xFFFFFFC0, v7  }
0x76: {  	v6 =	vor.u32 v6, v7  }
0x77: {  	v7 =	vperm.xlane v6, v3;
	_ =	sdelay $0x1  }
0x78: {  	v7 =	vadd.s32 v4, v7;
	_ =	sdelay $0x4  }
0x79: {  	[tilespmem:s26], [sflag:$0x2] =	stream.indirect_vreg.gather [hbm4b:s2+s3], $0x80, v7, vm0, $0xb8;
	[tilespmem:$0x19100] =	vst v63  }
0x7a: {  	v6 =	vperm.xlane v6, v5  }
0x7b: {  	[tilespmem:s31], [sflag:$0x2] =	stream.indirect_vreg.gather [hbm4b:s5+s3], $0x80, v7, vm0, $0xb8;
	[tilespmem:$0x19100] =	vst v63  }
0x7c: {  	s0 =	simm.s32 $0xA100;
	v6 =	vadd.s32 v4, v6  }
0x7d: {  	[tilespmem:s0], [sflag:$0x2] =	stream.indirect_vreg.gather [hbm4b:s6+s3], $0x80, v7, vm0, $0xb8;
	[tilespmem:$0x19100] =	vst v63  }
0x7e: {  	s8 =	simm.s32 $0xA900  }
0x7f: {  	[tilespmem:s8], [sflag:$0x2] =	stream.indirect_vreg.gather [hbm4b:s7+s3], $0x80, v7, vm0, $0xb8;
	[tilespmem:$0x19100] =	vst v63  }
0x80: {  	s8 =	simm.s32 $0xB100  }
0x81: {  	[tilespmem:s8], [sflag:$0x2] =	stream.indirect_vreg.gather [hbm4b:s2+s3], $0x80, v6, vm0, $0xb8;
	[tilespmem:$0x19100] =	vst v63  }
0x82: {  	_ = 	snop  }
0x83: {  	[tilespmem:s29], [sflag:$0x2] =	stream.indirect_vreg.gather [hbm4b:s5+s3], $0x80, v6, vm0, $0xb8;
	[tilespmem:$0x19100] =	vst v63  }
0x84: {  	_ = 	snop  }
0x85: {  	[tilespmem:s30], [sflag:$0x2] =	stream.indirect_vreg.gather [hbm4b:s6+s3], $0x80, v6, vm0, $0xb8;
	[tilespmem:$0x19100] =	vst v63  }
0x86: {  	s8 =	simm.s32 $0xC900  }
0x87: {  	[tilespmem:s8], [sflag:$0x2] =	stream.indirect_vreg.gather [hbm4b:s7+s3], $0x80, v6, vm0, $0xb8;
	[tilespmem:$0x19100] =	vst v63  }
0x88: {  	v6 =	vld [tilespmem:$0x1030];
	_ =	sdelay $0x4  }
0x89: {  	v7 =	vshll.u32 v6, $0x3  }
0x8a: {  	v6 =	vand.u32 $0x7, v6;
	v7 =	vand.u32 $0xFFFFFFC0, v7  }
0x8b: {  	v6 =	vor.u32 v6, v7  }
0x8c: {  	v7 =	vperm.xlane v6, v3;
	_ =	sdelay $0x1  }
0x8d: {  	v7 =	vadd.s32 v4, v7;
	_ =	sdelay $0x3  }
0x8e: {  	s8 =	simm.s32 $0xD100  }
0x8f: {  	[tilespmem:s8], [sflag:$0x2] =	stream.indirect_vreg.gather [hbm4b:s2+s3], $0x80, v7, vm0, $0xb8;
	[tilespmem:$0x19100] =	vst v63  }
0x90: {  	v6 =	vperm.xlane v6, v5;
	s8 =	simm.s32 $0xD900  }
0x91: {  	[tilespmem:s8], [sflag:$0x2] =	stream.indirect_vreg.gather [hbm4b:s5+s3], $0x80, v7, vm0, $0xb8;
	[tilespmem:$0x19100] =	vst v63  }
0x92: {  	v6 =	vadd.s32 v4, v6;
	s8 =	simm.s32 $0xE100  }
0x93: {  	[tilespmem:s8], [sflag:$0x2] =	stream.indirect_vreg.gather [hbm4b:s6+s3], $0x80, v7, vm0, $0xb8;
	[tilespmem:$0x19100] =	vst v63  }
0x94: {  	s8 =	simm.s32 $0xE900  }
0x95: {  	[tilespmem:s8], [sflag:$0x2] =	stream.indirect_vreg.gather [hbm4b:s7+s3], $0x80, v7, vm0, $0xb8;
	[tilespmem:$0x19100] =	vst v63  }
0x96: {  	s8 =	simm.s32 $0xF100  }
0x97: {  	[tilespmem:s8], [sflag:$0x2] =	stream.indirect_vreg.gather [hbm4b:s2+s3], $0x80, v6, vm0, $0xb8;
	[tilespmem:$0x19100] =	vst v63  }
0x98: {  	s8 =	simm.s32 $0xF900  }
0x99: {  	[tilespmem:s8], [sflag:$0x2] =	stream.indirect_vreg.gather [hbm4b:s5+s3], $0x80, v6, vm0, $0xb8;
	[tilespmem:$0x19100] =	vst v63  }
0x9a: {  	s8 =	simm.s32 $0x10100  }
0x9b: {  	[tilespmem:s8], [sflag:$0x2] =	stream.indirect_vreg.gather [hbm4b:s6+s3], $0x80, v6, vm0, $0xb8;
	[tilespmem:$0x19100] =	vst v63  }
0x9c: {  	s8 =	simm.s32 $0x10900  }
0x9d: {  	[tilespmem:s8], [sflag:$0x2] =	stream.indirect_vreg.gather [hbm4b:s7+s3], $0x80, v6, vm0, $0xb8;
	[tilespmem:$0x19100] =	vst v63  }
0x9e: {  	v6 =	vld [tilespmem:$0x1040];
	_ =	sdelay $0x4  }
0x9f: {  	v7 =	vshll.u32 v6, $0x3  }
0xa0: {  	v6 =	vand.u32 $0x7, v6;
	v7 =	vand.u32 $0xFFFFFFC0, v7  }
0xa1: {  	v6 =	vor.u32 v6, v7  }
0xa2: {  	v7 =	vperm.xlane v6, v3;
	_ =	sdelay $0x1  }
0xa3: {  	v7 =	vadd.s32 v4, v7;
	_ =	sdelay $0x4  }
0xa4: {  	[tilespmem:s28], [sflag:$0x3] =	stream.indirect_vreg.gather [hbm4b:s2+s3], $0x80, v7, vm0, $0xb8;
	[tilespmem:$0x19100] =	vst v63  }
0xa5: {  	s8 =	simm.s32 $0x11900;
	v6 =	vperm.xlane v6, v5  }
0xa6: {  	[tilespmem:s8], [sflag:$0x3] =	stream.indirect_vreg.gather [hbm4b:s5+s3], $0x80, v7, vm0, $0xb8;
	[tilespmem:$0x19100] =	vst v63  }
0xa7: {  	s0 =	simm.s32 $0x12100;
	v6 =	vadd.s32 v4, v6  }
0xa8: {  	[tilespmem:s0], [sflag:$0x3] =	stream.indirect_vreg.gather [hbm4b:s6+s3], $0x80, v7, vm0, $0xb8;
	[tilespmem:$0x19100] =	vst v63  }
0xa9: {  	s0 =	simm.s32 $0x12900  }
0xaa: {  	[tilespmem:s0], [sflag:$0x3] =	stream.indirect_vreg.gather [hbm4b:s7+s3], $0x80, v7, vm0, $0xb8;
	[tilespmem:$0x19100] =	vst v63  }
0xab: {  	s0 =	simm.s32 $0x13100  }
0xac: {  	[tilespmem:s0], [sflag:$0x3] =	stream.indirect_vreg.gather [hbm4b:s2+s3], $0x80, v6, vm0, $0xb8;
	[tilespmem:$0x19100] =	vst v63  }
0xad: {  	s0 =	simm.s32 $0x13900  }
0xae: {  	[tilespmem:s0], [sflag:$0x3] =	stream.indirect_vreg.gather [hbm4b:s5+s3], $0x80, v6, vm0, $0xb8;
	[tilespmem:$0x19100] =	vst v63  }
0xaf: {  	s0 =	simm.s32 $0x14100  }
0xb0: {  	[tilespmem:s0], [sflag:$0x3] =	stream.indirect_vreg.gather [hbm4b:s6+s3], $0x80, v6, vm0, $0xb8;
	[tilespmem:$0x19100] =	vst v63  }
0xb1: {  	s0 =	simm.s32 $0x14900  }
0xb2: {  	[tilespmem:s0], [sflag:$0x3] =	stream.indirect_vreg.gather [hbm4b:s7+s3], $0x80, v6, vm0, $0xb8;
	[tilespmem:$0x19100] =	vst v63  }
0xb3: {  	v6 =	vld [tilespmem:$0x1050];
	_ =	sdelay $0x4  }
0xb4: {  	v7 =	vshll.u32 v6, $0x3  }
0xb5: {  	v6 =	vand.u32 $0x7, v6;
	v7 =	vand.u32 $0xFFFFFFC0, v7  }
0xb6: {  	v6 =	vor.u32 v6, v7  }
0xb7: {  	v7 =	vperm.xlane v6, v3;
	_ =	sdelay $0x1  }
0xb8: {  	v7 =	vadd.s32 v4, v7;
	_ =	sdelay $0x3  }
0xb9: {  	s0 =	simm.s32 $0x15100  }
0xba: {  	[tilespmem:s0], [sflag:$0x3] =	stream.indirect_vreg.gather [hbm4b:s2+s3], $0x80, v7, vm0, $0xb8;
	[tilespmem:$0x19100] =	vst v63  }
0xbb: {  	v6 =	vperm.xlane v6, v5;
	s0 =	simm.s32 $0x15900  }
0xbc: {  	[tilespmem:s0], [sflag:$0x3] =	stream.indirect_vreg.gather [hbm4b:s5+s3], $0x80, v7, vm0, $0xb8;
	[tilespmem:$0x19100] =	vst v63  }
0xbd: {  	v6 =	vadd.s32 v4, v6;
	s0 =	simm.s32 $0x16100  }
0xbe: {  	[tilespmem:s0], [sflag:$0x3] =	stream.indirect_vreg.gather [hbm4b:s6+s3], $0x80, v7, vm0, $0xb8;
	[tilespmem:$0x19100] =	vst v63  }
0xbf: {  	s0 =	simm.s32 $0x16900  }
0xc0: {  	[tilespmem:s0], [sflag:$0x3] =	stream.indirect_vreg.gather [hbm4b:s7+s3], $0x80, v7, vm0, $0xb8;
	[tilespmem:$0x19100] =	vst v63  }
0xc1: {  	s0 =	simm.s32 $0x17100  }
0xc2: {  	[tilespmem:s0], [sflag:$0x3] =	stream.indirect_vreg.gather [hbm4b:s2+s3], $0x80, v6, vm0, $0xb8;
	[tilespmem:$0x19100] =	vst v63  }
0xc3: {  	s0 =	simm.s32 $0x17900  }
0xc4: {  	[tilespmem:s0], [sflag:$0x3] =	stream.indirect_vreg.gather [hbm4b:s5+s3], $0x80, v6, vm0, $0xb8;
	[tilespmem:$0x19100] =	vst v63  }
0xc5: {  	s0 =	simm.s32 $0x18100  }
0xc6: {  	[tilespmem:s0], [sflag:$0x3] =	stream.indirect_vreg.gather [hbm4b:s6+s3], $0x80, v6, vm0, $0xb8;
	[tilespmem:$0x19100] =	vst v63  }
0xc7: {  	s0 =	simm.s32 $0x18900  }
0xc8: {  	[tilespmem:s0], [sflag:$0x3] =	stream.indirect_vreg.gather [hbm4b:s7+s3], $0x80, v6, vm0, $0xb8;
	[tilespmem:$0x19100] =	vst v63  }
0xc9: {  	s0 =	simm.s32 $0x1  }
0xca: {  	_ =	swait.ge [sflag:s0], $0x8000  }
0xcb: {  	[sflag:s0] =	ssyncset.done $0x0  }
0xcc: {  	s8 =	rddreg [dreg:$0x4];
	[sflag:s0] =	ssyncadd.s32 $0xFFFF8000  }
0xcd: {  	[hbm4b:s8+s3] =	stream.linear.scatter [tilespmem:s9], [sflag:$0x4], $0x8000, $0x38;
	[tilespmem:$0x19100] =	vst v63  }
0xce: {  	_ =	swait.ge [sflag:s1], $0x8000  }
0xcf: {  	[sflag:s1] =	ssyncset.done $0x0  }
0xd0: {  	[sflag:s1] =	ssyncadd.s32 $0xFFFF8000  }
0xd1: {  	v6 =	vld [tilespmem:$0x1060];
	_ =	sdelay $0x4  }
0xd2: {  	v7 =	vshll.u32 v6, $0x3  }
0xd3: {  	v6 =	vand.u32 $0x7, v6;
	v7 =	vand.u32 $0xFFFFFFC0, v7  }
0xd4: {  	v6 =	vor.u32 v6, v7  }
0xd5: {  	v7 =	vperm.xlane v6, v3;
	_ =	sdelay $0x1  }
0xd6: {  	v7 =	vadd.s32 v4, v7;
	_ =	sdelay $0x4  }
0xd7: {  	[tilespmem:s9], [sflag:$0x1] =	stream.indirect_vreg.gather [hbm4b:s2+s3], $0x80, v7, vm0, $0xb8;
	[tilespmem:$0x19100] =	vst v63  }
0xd8: {  	v6 =	vperm.xlane v6, v5  }
0xd9: {  	[tilespmem:s16], [sflag:$0x1] =	stream.indirect_vreg.gather [hbm4b:s5+s3], $0x80, v7, vm0, $0xb8;
	[tilespmem:$0x19100] =	vst v63  }
0xda: {  	v6 =	vadd.s32 v4, v6  }
0xdb: {  	[tilespmem:s10], [sflag:$0x1] =	stream.indirect_vreg.gather [hbm4b:s6+s3], $0x80, v7, vm0, $0xb8;
	[tilespmem:$0x19100] =	vst v63  }
0xdc: {  	_ = 	snop  }
0xdd: {  	[tilespmem:s11], [sflag:$0x1] =	stream.indirect_vreg.gather [hbm4b:s7+s3], $0x80, v7, vm0, $0xb8;
	[tilespmem:$0x19100] =	vst v63  }
0xde: {  	_ = 	snop  }
0xdf: {  	[tilespmem:s17], [sflag:$0x1] =	stream.indirect_vreg.gather [hbm4b:s2+s3], $0x80, v6, vm0, $0xb8;
	[tilespmem:$0x19100] =	vst v63  }
0xe0: {  	_ = 	snop  }
0xe1: {  	[tilespmem:s12], [sflag:$0x1] =	stream.indirect_vreg.gather [hbm4b:s5+s3], $0x80, v6, vm0, $0xb8;
	[tilespmem:$0x19100] =	vst v63  }
0xe2: {  	_ = 	snop  }
0xe3: {  	[tilespmem:s18], [sflag:$0x1] =	stream.indirect_vreg.gather [hbm4b:s6+s3], $0x80, v6, vm0, $0xb8;
	[tilespmem:$0x19100] =	vst v63  }
0xe4: {  	_ = 	snop  }
0xe5: {  	[tilespmem:s13], [sflag:$0x1] =	stream.indirect_vreg.gather [hbm4b:s7+s3], $0x80, v6, vm0, $0xb8;
	[tilespmem:$0x19100] =	vst v63  }
0xe6: {  	v6 =	vld [tilespmem:$0x1070];
	_ =	sdelay $0x4  }
0xe7: {  	v7 =	vshll.u32 v6, $0x3  }
0xe8: {  	v6 =	vand.u32 $0x7, v6;
	v7 =	vand.u32 $0xFFFFFFC0, v7  }
0xe9: {  	v6 =	vor.u32 v6, v7  }
0xea: {  	v7 =	vperm.xlane v6, v3;
	_ =	sdelay $0x1  }
0xeb: {  	v7 =	vadd.s32 v4, v7;
	_ =	sdelay $0x4  }
0xec: {  	[tilespmem:s19], [sflag:$0x1] =	stream.indirect_vreg.gather [hbm4b:s2+s3], $0x80, v7, vm0, $0xb8;
	[tilespmem:$0x19100] =	vst v63  }
0xed: {  	v6 =	vperm.xlane v6, v5  }
0xee: {  	[tilespmem:s20], [sflag:$0x1] =	stream.indirect_vreg.gather [hbm4b:s5+s3], $0x80, v7, vm0, $0xb8;
	[tilespmem:$0x19100] =	vst v63  }
0xef: {  	v6 =	vadd.s32 v4, v6  }
0xf0: {  	[tilespmem:s21], [sflag:$0x1] =	stream.indirect_vreg.gather [hbm4b:s6+s3], $0x80, v7, vm0, $0xb8;
	[tilespmem:$0x19100] =	vst v63  }
0xf1: {  	_ = 	snop  }
0xf2: {  	[tilespmem:s22], [sflag:$0x1] =	stream.indirect_vreg.gather [hbm4b:s7+s3], $0x80, v7, vm0, $0xb8;
	[tilespmem:$0x19100] =	vst v63  }
0xf3: {  	_ = 	snop  }
0xf4: {  	[tilespmem:s23], [sflag:$0x1] =	stream.indirect_vreg.gather [hbm4b:s2+s3], $0x80, v6, vm0, $0xb8;
	[tilespmem:$0x19100] =	vst v63  }
0xf5: {  	_ = 	snop  }
0xf6: {  	[tilespmem:s24], [sflag:$0x1] =	stream.indirect_vreg.gather [hbm4b:s5+s3], $0x80, v6, vm0, $0xb8;
	[tilespmem:$0x19100] =	vst v63  }
0xf7: {  	_ = 	snop  }
0xf8: {  	[tilespmem:s25], [sflag:$0x1] =	stream.indirect_vreg.gather [hbm4b:s6+s3], $0x80, v6, vm0, $0xb8;
	[tilespmem:$0x19100] =	vst v63  }
0xf9: {  	s10 =	simm.s32 $0x2  }
0xfa: {  	[tilespmem:s14], [sflag:$0x1] =	stream.indirect_vreg.gather [hbm4b:s7+s3], $0x80, v6, vm0, $0xb8;
	[tilespmem:$0x19100] =	vst v63  }
0xfb: {  	_ =	swait.ge [sflag:s10], $0x8000  }
0xfc: {  	[sflag:s10] =	ssyncset.done $0x0  }
0xfd: {  	s11 =	rddreg [dreg:$0x5];
	[sflag:s10] =	ssyncadd.s32 $0xFFFF8000  }
0xfe: {  	[hbm4b:s11+s3] =	stream.linear.scatter [tilespmem:s26], [sflag:$0x5], $0x8000, $0x38;
	[tilespmem:$0x19100] =	vst v63  }
0xff: {  	s11 =	simm.s32 $0x5  }
0x100: {  	_ =	swait.ge [sflag:s11], $0x8000  }
0x101: {  	[sflag:s11] =	ssyncset.done $0x0  }
0x102: {  	[sflag:s11] =	ssyncadd.s32 $0xFFFF8000  }
0x103: {  	v6 =	vld [tilespmem:$0x1080];
	_ =	sdelay $0x4  }
0x104: {  	v7 =	vshll.u32 v6, $0x3  }
0x105: {  	v6 =	vand.u32 $0x7, v6;
	v7 =	vand.u32 $0xFFFFFFC0, v7  }
0x106: {  	v6 =	vor.u32 v6, v7  }
0x107: {  	v7 =	vperm.xlane v6, v3;
	_ =	sdelay $0x1  }
0x108: {  	v7 =	vadd.s32 v4, v7;
	_ =	sdelay $0x4  }
0x109: {  	[tilespmem:s26], [sflag:$0x2] =	stream.indirect_vreg.gather [hbm4b:s2+s3], $0x80, v7, vm0, $0xb8;
	[tilespmem:$0x19100] =	vst v63  }
0x10a: {  	v6 =	vperm.xlane v6, v5  }
0x10b: {  	[tilespmem:s31], [sflag:$0x2] =	stream.indirect_vreg.gather [hbm4b:s5+s3], $0x80, v7, vm0, $0xb8;
	[tilespmem:$0x19100] =	vst v63  }
0x10c: {  	s8 =	simm.s32 $0xA100;
	v6 =	vadd.s32 v4, v6  }
0x10d: {  	[tilespmem:s8], [sflag:$0x2] =	stream.indirect_vreg.gather [hbm4b:s6+s3], $0x80, v7, vm0, $0xb8;
	[tilespmem:$0x19100] =	vst v63  }
0x10e: {  	s8 =	simm.s32 $0xA900  }
0x10f: {  	[tilespmem:s8], [sflag:$0x2] =	stream.indirect_vreg.gather [hbm4b:s7+s3], $0x80, v7, vm0, $0xb8;
	[tilespmem:$0x19100] =	vst v63  }
0x110: {  	s8 =	simm.s32 $0xB100  }
0x111: {  	[tilespmem:s8], [sflag:$0x2] =	stream.indirect_vreg.gather [hbm4b:s2+s3], $0x80, v6, vm0, $0xb8;
	[tilespmem:$0x19100] =	vst v63  }
0x112: {  	_ = 	snop  }
0x113: {  	[tilespmem:s29], [sflag:$0x2] =	stream.indirect_vreg.gather [hbm4b:s5+s3], $0x80, v6, vm0, $0xb8;
	[tilespmem:$0x19100] =	vst v63  }
0x114: {  	_ = 	snop  }
0x115: {  	[tilespmem:s30], [sflag:$0x2] =	stream.indirect_vreg.gather [hbm4b:s6+s3], $0x80, v6, vm0, $0xb8;
	[tilespmem:$0x19100] =	vst v63  }
0x116: {  	s8 =	simm.s32 $0xC900  }
0x117: {  	[tilespmem:s8], [sflag:$0x2] =	stream.indirect_vreg.gather [hbm4b:s7+s3], $0x80, v6, vm0, $0xb8;
	[tilespmem:$0x19100] =	vst v63  }
0x118: {  	v6 =	vld [tilespmem:$0x1090];
	_ =	sdelay $0x4  }
0x119: {  	v7 =	vshll.u32 v6, $0x3  }
0x11a: {  	v6 =	vand.u32 $0x7, v6;
	v7 =	vand.u32 $0xFFFFFFC0, v7  }
0x11b: {  	v6 =	vor.u32 v6, v7  }
0x11c: {  	v7 =	vperm.xlane v6, v3;
	_ =	sdelay $0x1  }
0x11d: {  	v7 =	vadd.s32 v4, v7;
	_ =	sdelay $0x3  }
0x11e: {  	s8 =	simm.s32 $0xD100  }
0x11f: {  	[tilespmem:s8], [sflag:$0x2] =	stream.indirect_vreg.gather [hbm4b:s2+s3], $0x80, v7, vm0, $0xb8;
	[tilespmem:$0x19100] =	vst v63  }
0x120: {  	v6 =	vperm.xlane v6, v5;
	s8 =	simm.s32 $0xD900  }
0x121: {  	[tilespmem:s8], [sflag:$0x2] =	stream.indirect_vreg.gather [hbm4b:s5+s3], $0x80, v7, vm0, $0xb8;
	[tilespmem:$0x19100] =	vst v63  }
0x122: {  	v6 =	vadd.s32 v4, v6;
	s8 =	simm.s32 $0xE100  }
0x123: {  	[tilespmem:s8], [sflag:$0x2] =	stream.indirect_vreg.gather [hbm4b:s6+s3], $0x80, v7, vm0, $0xb8;
	[tilespmem:$0x19100] =	vst v63  }
0x124: {  	s8 =	simm.s32 $0xE900  }
0x125: {  	[tilespmem:s8], [sflag:$0x2] =	stream.indirect_vreg.gather [hbm4b:s7+s3], $0x80, v7, vm0, $0xb8;
	[tilespmem:$0x19100] =	vst v63  }
0x126: {  	s8 =	simm.s32 $0xF100  }
0x127: {  	[tilespmem:s8], [sflag:$0x2] =	stream.indirect_vreg.gather [hbm4b:s2+s3], $0x80, v6, vm0, $0xb8;
	[tilespmem:$0x19100] =	vst v63  }
0x128: {  	s8 =	simm.s32 $0xF900  }
0x129: {  	[tilespmem:s8], [sflag:$0x2] =	stream.indirect_vreg.gather [hbm4b:s5+s3], $0x80, v6, vm0, $0xb8;
	[tilespmem:$0x19100] =	vst v63  }
0x12a: {  	s8 =	simm.s32 $0x10100  }
0x12b: {  	[tilespmem:s8], [sflag:$0x2] =	stream.indirect_vreg.gather [hbm4b:s6+s3], $0x80, v6, vm0, $0xb8;
	[tilespmem:$0x19100] =	vst v63  }
0x12c: {  	s8 =	simm.s32 $0x10900  }
0x12d: {  	[tilespmem:s8], [sflag:$0x2] =	stream.indirect_vreg.gather [hbm4b:s7+s3], $0x80, v6, vm0, $0xb8;
	[tilespmem:$0x19100] =	vst v63  }
0x12e: {  	s8 =	simm.s32 $0x3  }
0x12f: {  	_ =	swait.ge [sflag:s8], $0x8000  }
0x130: {  	[sflag:s8] =	ssyncset.done $0x0  }
0x131: {  	[sflag:s8] =	ssyncadd.s32 $0xFFFF8000;
	s8 =	rddreg [dreg:$0x6]  }
0x132: {  	[hbm4b:s8+s3] =	stream.linear.scatter [tilespmem:s28], [sflag:$0x6], $0x8000, $0x38;
	[tilespmem:$0x19100] =	vst v63  }
0x133: {  	_ =	swait.ge [sflag:s0], $0x8000  }
0x134: {  	[sflag:s0] =	ssyncset.done $0x0  }
0x135: {  	[sflag:s0] =	ssyncadd.s32 $0xFFFF8000;
	s0 =	rddreg [dreg:$0x7]  }
0x136: {  	[hbm4b:s0+s3] =	stream.linear.scatter [tilespmem:s9], [sflag:$0x4], $0x8000, $0x38;
	[tilespmem:$0x19100] =	vst v63  }
0x137: {  	_ =	swait.ge [sflag:s10], $0x8000  }
0x138: {  	[sflag:s10] =	ssyncset.done $0x0  }
0x139: {  	s9 =	simm.s32 $0x6;
	s0 =	rddreg [dreg:$0x8];
	[sflag:s10] =	ssyncadd.s32 $0xFFFF8000  }
0x13a: {  	[hbm4b:s0+s3] =	stream.linear.scatter [tilespmem:s26], [sflag:$0x5], $0x8000, $0x38;
	[tilespmem:$0x19100] =	vst v63  }
0x13b: {  	_ =	swait.ge [sflag:s9], $0x8000  }
0x13c: {  	[sflag:s9] =	ssyncset.done $0x0  }
0x13d: {  	[sflag:s9] =	ssyncadd.s32 $0xFFFF8000  }
0x13e: {  	_ =	swait.ge [sflag:s1], $0x8000  }
0x13f: {  	[sflag:s1] =	ssyncset.done $0x0  }
0x140: {  	[sflag:s1] =	ssyncadd.s32 $0xFFFF8000  }
0x141: {  	_ =	swait.ge [sflag:s11], $0x8000  }
0x142: {  	s4 =	sadd.s32 $0x1, s4;
	s10 =	rddreg [dreg:$0x9]  }
0x143: {  	p0 =	sne.s32 s4, s10  }
.Ltmp1:
0x144: {  	_ = 	snop;
	(pc) =	sbr.rel @p0 .LBB2_1-.Ltmp1, $3  }
0x145: {  	_ =	sdelay $0x1  }
0x146: {  	[sflag:s11] =	ssyncset.done $0x0  }
0x147: {  	[sflag:s11] =	ssyncadd.s32 $0xFFFF8000  }
0x148: {  	_ =	sfence.sel $0x180000  }
0x149: {  	[bflag:$0x0] =	sbarrier.arrive $0xFFFF  }
0x14a: {  	_ =	strace $0x90000047  }
0x14b: {  	s0 =	stileid.u32;
	[bflag:$0x2] =	sbarrier.arrive $0xFFFF  }
0x14c: {  	p0 =	sne.s32 s0, $0x0;
	s0 =	rddreg [dreg:$0x2]  }
0x14d: {  	s0 =	sadd.s32 @!p0 $0x100000, s0  }
0x14e: {  	[sflag:s0] =	ssyncadd.tile.s32 @!p0 $0x1;
	_ =	shalt  }
.Lfunc_end2:
_tile_overlayer_lowered:
.L_overlay_start_2:
0x14f: {  	(tag) =	ssettag $0x2  }
0x150: {  	s0 =	rddreg [dreg:$0x0];
	s2 =	stileid.u32  }
0x151: {  	s1 =	rddreg [dreg:$0x1];
	p0 =	sne.s32 s2, $0x0  }
0x152: {  	s3 =	rddreg [dreg:$0x2];
	[bflag:$0x3] =	sbarrier.arrive $0xFFFF;
	s2 =	simm.s32 @!p0 $0x1C07  }
0x153: {  	[timem:s3], [sflag:s2] =	dma.local @!p0 [hbm:s0], s1  }
0x154: {  	s0 =	simm.s32 @!p0 $0x7  }
0x155: {  	_ =	swait.ge @!p0 [sflag:s0], s1  }
0x156: {  	s1 =	ssub.s32 @!p0 $0x0, s1;
	[sflag:s0] =	ssyncset.done @!p0 $0x0  }
0x157: {  	[sflag:s0] =	ssyncadd.s32 @!p0 s1  }
0x158: {  	[bflag:$0x3] =	sbarrier.arrive $0xFFFF  }
0x159: {  	_ =	shalt  }

</sc_bundles>
